<compile_context>
chip_gen: v7x
topology: tpu7x:2x2x1
jax: 0.10.2.dev20260603
libtpu: 0.0.44.dev20260713+nightly
codegen_flags: <defaults>
</compile_context>

<pallas_src>
import functools

import jax
import jax.numpy as jnp
from jax import lax
from jax.experimental import pallas as pl
from jax.experimental.pallas import tpu as pltpu
from jax.experimental.pallas import tpu_sc as plsc

Bb, Nn, DFf, KK = 4, 2048, 512, 16
EPS = 1e-5
F32 = jnp.float32


def _hi(x):
    return x


def _dotT(a, b):
    return lax.dot_general(a, b, (((1,), (1,)), ((), ())),
                           preferred_element_type=F32)


def _dot(a, b):
    return lax.dot_general(a, b, (((1,), (0,)), ((), ())),
                           preferred_element_type=F32)


_RBK = 256


def _knn_body(ptsb_ref, ptsf_ref, ones_ref, a_ref, idx2_ref):
    pb = ptsb_ref[0]
    pf = ptsf_ref[0]
    sq_b = jnp.sum(pb * pb, axis=1, keepdims=True)
    sq_f = _dotT(ones_ref[...], pf * pf)
    g = _dotT(pb, pf)
    d = sq_b + sq_f - 2.0 * g
    col = lax.broadcasted_iota(jnp.int32, (_RBK, Nn), 1)
    big = jnp.float32(1e30)
    i = pl.program_id(1)
    n_self = i * _RBK + lax.broadcasted_iota(jnp.int32, (_RBK, 1), 0)
    dd = jnp.where(col == n_self, big, d)
    colf = col.astype(F32)
    ams = []
    for _ in range(KK):
        dmin = jnp.min(dd, axis=1, keepdims=True)
        eqm = dd == dmin
        am = jnp.min(jnp.where(eqm, colf, jnp.float32(Nn)), axis=1,
                     keepdims=True)
        ams.append(am)
        dd = jnp.where(eqm, big, dd)
    v = jnp.concatenate(ams, axis=1).astype(jnp.int32)
    a_ref[0] = jnp.where(col == n_self, 0.0,
                         jnp.where(dd == big, 1.0, 0.0)).astype(jnp.bfloat16)
    idx2_ref[0] = jnp.concatenate([n_self, v[:, :KK - 1]], axis=1)


def _knn(pts8):
    grid = (Bb, Nn // _RBK)
    out = pl.pallas_call(
        _knn_body,
        grid=grid,
        in_specs=[
            pl.BlockSpec((1, _RBK, 8), lambda b, i: (b, i, 0)),
            pl.BlockSpec((1, Nn, 8), lambda b, i: (b, 0, 0)),
            pl.BlockSpec((1, 8), lambda b, i: (0, 0)),
        ],
        out_specs=[
            pl.BlockSpec((1, _RBK, Nn), lambda b, i: (b, i, 0)),
            pl.BlockSpec((1, _RBK, KK), lambda b, i: (b, i, 0)),
        ],
        out_shape=[
            jax.ShapeDtypeStruct((Bb, Nn, Nn), jnp.bfloat16),
            jax.ShapeDtypeStruct((Bb, Nn, KK), jnp.int32),
        ],
    )(pts8, pts8, jnp.ones((1, 8), F32))
    return out


def _mlp1_body(x_ref, w1_ref, b1_ref, w2_ref, b2_ref, o_ref):
    h = jnp.maximum(_dot(x_ref[...], w1_ref[...]) + b1_ref[...], 0.0)
    o_ref[...] = _dot(h, w2_ref[...]) + b2_ref[...]


def _mlp1(xrows, w1t, b1, w2t, b2):
    R = xrows.shape[0]
    RB = 1024
    return pl.pallas_call(
        _mlp1_body,
        grid=(R // RB,),
        in_specs=[
            pl.BlockSpec((RB, 8), lambda i: (i, 0)),
            pl.BlockSpec(w1t.shape, lambda i: (0, 0)),
            pl.BlockSpec(b1.shape, lambda i: (0, 0)),
            pl.BlockSpec(w2t.shape, lambda i: (0, 0)),
            pl.BlockSpec(b2.shape, lambda i: (0, 0)),
        ],
        out_specs=pl.BlockSpec((RB, 128), lambda i: (i, 0)),
        out_shape=jax.ShapeDtypeStruct((R, 128), F32),
    )(xrows, w1t, b1, w2t, b2)


_RBS = 256


def _sage_body(a_ref, xf_ref, xb_ref, wl_ref, wr_ref, cb_ref, sc_ref,
               sh_ref, o_ref, *, residual):
    acc = a_ref[0].astype(F32)
    mean = _dot(acc, xf_ref[0]) * (1.0 / KK)
    xb = xb_ref[0]
    y = _dot(mean, wl_ref[...]) + cb_ref[...] + _dot(xb, wr_ref[...])
    y = jnp.maximum(y * sc_ref[...] + sh_ref[...], 0.0)
    if residual:
        y = y + xb
    o_ref[0] = y


def _sage(x, A, wlt, bl, wrt, bn_s, bn_t, residual):
    return pl.pallas_call(
        functools.partial(_sage_body, residual=residual),
        grid=(Bb, Nn // _RBS),
        in_specs=[
            pl.BlockSpec((1, _RBS, Nn), lambda b, i: (b, i, 0)),
            pl.BlockSpec((1, Nn, 128), lambda b, i: (b, 0, 0)),
            pl.BlockSpec((1, _RBS, 128), lambda b, i: (b, i, 0)),
            pl.BlockSpec((128, 128), lambda b, i: (0, 0)),
            pl.BlockSpec((128, 128), lambda b, i: (0, 0)),
            pl.BlockSpec((1, 128), lambda b, i: (0, 0)),
            pl.BlockSpec((1, 128), lambda b, i: (0, 0)),
            pl.BlockSpec((1, 128), lambda b, i: (0, 0)),
        ],
        out_specs=pl.BlockSpec((1, _RBS, 128), lambda b, i: (b, i, 0)),
        out_shape=jax.ShapeDtypeStruct((Bb, Nn, 128), F32),
    )(A, x, x, wlt, wrt, bl, bn_s, bn_t)


def _fmax_body(x_ref, o_ref):
    o_ref[0] = jnp.max(x_ref[0], axis=0, keepdims=True)


def _fmax(h2):
    return pl.pallas_call(
        _fmax_body,
        grid=(Bb,),
        in_specs=[pl.BlockSpec((1, Nn, 128), lambda b: (b, 0, 0))],
        out_specs=pl.BlockSpec((1, 1, 128), lambda b: (b, 0, 0)),
        out_shape=jax.ShapeDtypeStruct((Bb, 1, 128), F32),
    )(h2)


_RQ = 512


def _q_body(x_ref, fm_ref, fg_ref, w1a_ref, w1b_ref, w1c_ref, b1_ref,
            w2_ref, b2_ref, o_ref):
    c = (_dot(fm_ref[0], w1b_ref[...]) + _dot(fg_ref[0], w1c_ref[...])
         + b1_ref[...])
    h = jnp.maximum(_dot(x_ref[0], w1a_ref[...]) + c, 0.0)
    o_ref[0] = _dot(h, w2_ref[...]) + b2_ref[...]


def _qkern(h2, fm, fg, w1at, w1bt, w1ct, b1, w2t, b2):
    return pl.pallas_call(
        _q_body,
        grid=(Bb, Nn // _RQ),
        in_specs=[
            pl.BlockSpec((1, _RQ, 128), lambda b, i: (b, i, 0)),
            pl.BlockSpec((1, 1, 128), lambda b, i: (b, 0, 0)),
            pl.BlockSpec((1, 1, DFf), lambda b, i: (b, 0, 0)),
            pl.BlockSpec((128, 256), lambda b, i: (0, 0)),
            pl.BlockSpec((128, 256), lambda b, i: (0, 0)),
            pl.BlockSpec((DFf, 256), lambda b, i: (0, 0)),
            pl.BlockSpec((1, 256), lambda b, i: (0, 0)),
            pl.BlockSpec((256, 128), lambda b, i: (0, 0)),
            pl.BlockSpec((1, 128), lambda b, i: (0, 0)),
        ],
        out_specs=pl.BlockSpec((1, _RQ, 128), lambda b, i: (b, i, 0)),
        out_shape=jax.ShapeDtypeStruct((Bb, Nn, 128), F32),
    )(h2, fm, fg, w1at, w1bt, w1ct, b1, w2t, b2)


def _tab_body(kp_ref, p16_ref, wk_ref, bk_ref, wu_ref, tab_ref):
    kp = jnp.transpose(kp_ref[0])
    key = _dot(kp, wk_ref[...]) + bk_ref[...]
    u = _dot(p16_ref[0], wu_ref[...])
    tab_ref[0] = jnp.concatenate([key, u], axis=1)


def _tab_kern(K_prev, p16, wkt, bk, wut):
    wspec = lambda s: pl.BlockSpec(s, lambda b, i: (0, 0))
    return pl.pallas_call(
        _tab_body,
        grid=(Bb, Nn // _RQ),
        in_specs=[
            pl.BlockSpec((1, 128, _RQ), lambda b, i: (b, 0, i)),
            pl.BlockSpec((1, _RQ, 16), lambda b, i: (b, i, 0)),
            wspec((128, 64)), wspec((1, 64)), wspec((16, 64)),
        ],
        out_specs=pl.BlockSpec((1, _RQ, 128), lambda b, i: (b, i, 0)),
        out_shape=jax.ShapeDtypeStruct((Bb, Nn, 128), F32),
    )(K_prev, p16, wkt, bk, wut)


def _kqv_body(kp_ref, q_ref, wst_ref, bs_ref, w1_ref, b1_ref,
              w2_ref, b2_ref, wq_ref, bq_ref, wv_ref,
              bv_ref, val_ref, qry_ref, vt_ref):
    kp = jnp.transpose(kp_ref[0])
    q = q_ref[0]
    cat = jnp.concatenate([kp, q], axis=1)
    sc = _dot(cat, wst_ref[...]) + bs_ref[...]
    h = jnp.maximum(_dot(cat, w1_ref[...]) + b1_ref[...], 0.0)
    val = _dot(h, w2_ref[...]) + b2_ref[...] + sc
    val_ref[0] = val
    qry_ref[0] = _dot(q, wq_ref[...]) + bq_ref[...]
    vt_ref[0] = _dot(val, wv_ref[...]) + bv_ref[...]


def _kqv(kp, q, wst, bs, w1t, b1, w2t, b2, wqt, bq, wvt, bv):
    wspec = lambda s: pl.BlockSpec(s, lambda b, i: (0, 0))
    return pl.pallas_call(
        _kqv_body,
        grid=(Bb, Nn // _RQ),
        in_specs=[
            pl.BlockSpec((1, 128, _RQ), lambda b, i: (b, 0, i)),
            pl.BlockSpec((1, _RQ, 128), lambda b, i: (b, i, 0)),
            wspec((256, 128)), wspec((1, 128)),
            wspec((256, 128)), wspec((1, 128)),
            wspec((128, 128)), wspec((1, 128)),
            wspec((128, 64)), wspec((1, 64)),
            wspec((128, 64)), wspec((1, 64)),
        ],
        out_specs=[
            pl.BlockSpec((1, _RQ, 128), lambda b, i: (b, i, 0)),
            pl.BlockSpec((1, _RQ, 64), lambda b, i: (b, i, 0)),
            pl.BlockSpec((1, _RQ, 64), lambda b, i: (b, i, 0)),
        ],
        out_shape=[
            jax.ShapeDtypeStruct((Bb, Nn, 128), F32),
            jax.ShapeDtypeStruct((Bb, Nn, 64), F32),
            jax.ShapeDtypeStruct((Bb, Nn, 64), F32),
        ],
    )(kp, q, wst, bs, w1t, b1, w2t, b2, wqt, bq, wvt, bv)


_GCH = 128


def _sc_gather(table, ids):
    E = ids.shape[0]
    D = table.shape[1]
    info = plsc.get_sparse_core_info()
    nw = info.num_cores * info.num_subcores
    e_per_w = E // nw
    n_ch = e_per_w // _GCH
    mesh = plsc.VectorSubcoreMesh(core_axis_name="c", subcore_axis_name="s")

    @functools.partial(
        pl.kernel, mesh=mesh,
        out_type=jax.ShapeDtypeStruct((E, D), F32),
        scratch_types=[
            pltpu.VMEM((_GCH,), jnp.int32),
            pltpu.VMEM((_GCH, D), F32),
            pltpu.SemaphoreType.DMA,
        ],
    )
    def k(table_hbm, ids_hbm, out_hbm, idx_v, rows_v, sem):
        wid = lax.axis_index("s") * info.num_cores + lax.axis_index("c")
        base = wid * e_per_w

        def body(c, _):
            off = base + c * _GCH
            pltpu.sync_copy(ids_hbm.at[pl.ds(off, _GCH)], idx_v)
            pltpu.async_copy(table_hbm.at[idx_v], rows_v, sem).wait()
            pltpu.sync_copy(rows_v, out_hbm.at[pl.ds(off, _GCH)])
            return _

        lax.fori_loop(0, n_ch, body, 0)

    return k(table, ids)


_RA = 256


def _rep(x, c):
    return jnp.broadcast_to(x[:, None, :], (_RA, KK, c)).reshape(_RA * KK, c)


def _seg(x, c):
    return jnp.sum(x.reshape(_RA, KK, c), axis=1)


def _att_body(g_ref, q_ref, v_ref, tab_ref, idn_ref,
              bp1_ref, ps_ref, pt_ref, wp2_ref, bp2_ref,
              wa1_ref, ba1_ref, as_ref, at_ref, wa2_ref, ba2_ref,
              we_ref, be_ref, wf1_ref, bf1_ref, wf2_ref, bf2_ref,
              pw_ref, h_ref, y_ref):
    g = g_ref[0]
    qu = jnp.concatenate([q_ref[0], tab_ref[0][:, 64:128]], axis=1)
    D = _rep(qu, 128) - g
    Dp = (D + bp1_ref[...]) * ps_ref[...] + pt_ref[...]
    lane = lax.broadcasted_iota(jnp.int32, (_RA * KK, 128), 1)
    Dp = jnp.where(lane >= 64, jnp.maximum(Dp, 0.0), Dp)
    pe = _dot(Dp, wp2_ref[...]) + bp2_ref[...]
    a = _dot(Dp[:, :64] + pe, wa1_ref[...]) + ba1_ref[...]
    a = jnp.maximum(a * as_ref[...] + at_ref[...], 0.0)
    logit = _dot(a, wa2_ref[...]) + ba2_ref[...]
    e2 = jnp.exp(logit - jnp.max(logit))
    val4 = jnp.concatenate(
        [_rep(v_ref[0], 64) + pe, jnp.ones((_RA * KK, 64), F32)], axis=1)
    nd = _seg(e2 * val4, 128)
    agg = nd[:, :64] / nd[:, 64:128]
    h = _dot(agg, we_ref[...]) + be_ref[...] + idn_ref[0]
    h_ref[0] = h
    fc = jnp.maximum(_dot(h, wf1_ref[...]) + bf1_ref[...], 0.0)
    fc = _dot(fc, wf2_ref[...]) + bf2_ref[...]
    y = _dot(fc, pw_ref[...])
    y_ref[0] = y.reshape(2 * _RA, 128)


def _att(g, qt, vt, tab, idn, bp1, pbs, pbt, wp2t, bp2,
         wa1t, ba1, abs_, abt, wa2t, ba2, wet, be, wf1t, bf1, wf2t, bf2,
         pw):
    wspec = lambda s: pl.BlockSpec(s, lambda b, i: (0, 0))
    return pl.pallas_call(
        _att_body,
        grid=(Bb, Nn // _RA),
        in_specs=[
            pl.BlockSpec((1, _RA * KK, 128), lambda b, i: (b, i, 0)),
            pl.BlockSpec((1, _RA, 64), lambda b, i: (b, i, 0)),
            pl.BlockSpec((1, _RA, 64), lambda b, i: (b, i, 0)),
            pl.BlockSpec((1, _RA, 128), lambda b, i: (b, i, 0)),
            pl.BlockSpec((1, _RA, 128), lambda b, i: (b, i, 0)),
            wspec((1, 128)), wspec((1, 128)), wspec((1, 128)),
            wspec((128, 64)), wspec((1, 64)),
            wspec((64, 256)), wspec((1, 256)), wspec((1, 256)), wspec((1, 256)),
            wspec((256, 128)), wspec((1, 128)),
            wspec((64, 128)), wspec((1, 128)),
            wspec((128, 64)), wspec((1, 64)),
            wspec((64, 32)), wspec((1, 32)),
            wspec((32, 256)),
        ],
        out_specs=[
            pl.BlockSpec((1, _RA, 128), lambda b, i: (b, i, 0)),
            pl.BlockSpec((1, 2 * _RA, 128), lambda b, i: (b, i, 0)),
        ],
        out_shape=[
            jax.ShapeDtypeStruct((Bb, Nn, 128), F32),
            jax.ShapeDtypeStruct((Bb, 2 * Nn, 128), F32),
        ],
    )(g, qt, vt, tab, idn, bp1, pbs, pbt, wp2t, bp2,
      wa1t, ba1, abs_, abt, wa2t, ba2, wet, be, wf1t, bf1, wf2t, bf2, pw)


_RF = 512


def _fin_body(fc_ref, h_ref, pts_ref, wsa_ref, wsb_ref, bs_ref,
              w1a_ref, w1b_ref, b1_ref, w2_ref, b2_ref,
              wd1_ref, bd1_ref, wd2_ref, bd2_ref, kc_ref, po_ref):
    fcx = fc_ref[0]
    hh = jnp.broadcast_to(h_ref[0][:, None, :], (_RF // 2, 2, 128)
                          ).reshape(_RF, 128)
    sc = _dot(fcx, wsa_ref[...]) + _dot(hh, wsb_ref[...]) + bs_ref[...]
    h = jnp.maximum(_dot(fcx, w1a_ref[...]) + _dot(hh, w1b_ref[...])
                    + b1_ref[...], 0.0)
    kc = _dot(h, w2_ref[...]) + b2_ref[...] + sc
    kc_ref[0] = jnp.transpose(kc)
    r = jnp.maximum(kc, 0.0)
    d1 = jnp.maximum(_dot(r, wd1_ref[...]) + bd1_ref[...], 0.0)
    dl = _dot(d1, wd2_ref[...]) + bd2_ref[...]
    pp = jnp.broadcast_to(pts_ref[0][:, None, :], (_RF // 2, 2, 8)
                          ).reshape(_RF, 8)
    po_ref[0] = jnp.transpose(pp + jnp.tanh(dl))


def _fin(fc_rows, H, pts8, wsat, wsbt, bs, w1at, w1bt, b1, w2t, b2,
         wd1t, bd1, wd2t, bd2):
    wspec = lambda s: pl.BlockSpec(s, lambda b, i: (0, 0))
    N2 = 2 * Nn
    return pl.pallas_call(
        _fin_body,
        grid=(Bb, N2 // _RF),
        in_specs=[
            pl.BlockSpec((1, _RF, 128), lambda b, i: (b, i, 0)),
            pl.BlockSpec((1, _RF // 2, 128), lambda b, i: (b, i, 0)),
            pl.BlockSpec((1, _RF // 2, 8), lambda b, i: (b, i, 0)),
            wspec((128, 128)), wspec((128, 128)), wspec((1, 128)),
            wspec((128, 128)), wspec((128, 128)), wspec((1, 128)),
            wspec((128, 128)), wspec((1, 128)),
            wspec((128, 64)), wspec((1, 64)),
            wspec((64, 8)), wspec((1, 8)),
        ],
        out_specs=[
            pl.BlockSpec((1, 128, _RF), lambda b, i: (b, 0, i)),
            pl.BlockSpec((1, 8, _RF), lambda b, i: (b, 0, i)),
        ],
        out_shape=[
            jax.ShapeDtypeStruct((Bb, 128, N2), F32),
            jax.ShapeDtypeStruct((Bb, 8, N2), F32),
        ],
    )(fc_rows, H, pts8, wsat, wsbt, bs, w1at, w1bt, b1, w2t, b2,
      wd1t, bd1, wd2t, bd2)


def _bn_fold(p, pre):
    s = p[pre + '_g'] / jnp.sqrt(p[pre + '_v'] + EPS)
    t = p[pre + '_b'] - p[pre + '_m'] * s
    return s[None, :], t[None, :]


def _bn_fold2(p, pre):
    s = p[pre + 'g'] / jnp.sqrt(p[pre + 'v'] + EPS)
    t = p[pre + 'b'] - p[pre + 'm'] * s
    return s[None, :], t[None, :]


def _row(v):
    return v[None, :]


def kernel(pcd_prev, feat_global, K_prev, params):
    p = params
    pts = jnp.transpose(pcd_prev, (0, 2, 1))
    pts8 = jnp.pad(pts, ((0, 0), (0, 0), (0, 5)))
    pts16 = jnp.pad(pts, ((0, 0), (0, 0), (0, 13)))

    A, idx2 = _knn(pts8)

    tab = _tab_kern(K_prev, pts16, p['st_Wk'].T, _row(p['st_bk']),
                    jnp.pad(p['st_pos_W1'].T, ((0, 13), (0, 0))))
    flat_ids = (idx2 + (jnp.arange(Bb, dtype=jnp.int32) * Nn)[:, None, None]
                ).reshape(-1)
    g = _sc_gather(tab.reshape(Bb * Nn, 128), flat_ids
                   ).reshape(Bb, Nn * KK, 128)

    x = _mlp1(pts8.reshape(Bb * Nn, 8),
              jnp.pad(p['mlp1_W1'].T, ((0, 5), (0, 0))), _row(p['mlp1_b1']),
              p['mlp1_W2'].T, _row(p['mlp1_b2'])).reshape(Bb, Nn, 128)

    s1, t1 = _bn_fold(p, 'bn1')
    h1 = _sage(x, A, p['sage1_Wl'].T, _row(p['sage1_bl']),
               p['sage1_Wr'].T, s1, t1, residual=False)
    s2, t2 = _bn_fold(p, 'bn2')
    h2 = _sage(h1, A, p['sage2_Wl'].T, _row(p['sage2_bl']),
               p['sage2_Wr'].T, s2, t2, residual=True)

    fm = _fmax(h2)
    fg = jnp.transpose(feat_global, (0, 2, 1))
    W1 = p['mlp2_W1']
    Q = _qkern(h2, fm, fg,
               W1[:, :128].T, W1[:, 128:256].T, W1[:, 256:].T,
               _row(p['mlp2_b1']), p['mlp2_W2'].T, _row(p['mlp2_b2']))

    value, query_t, value_t = _kqv(
        K_prev, Q,
        p['st_mlpv_Ws'].T, _row(p['st_mlpv_bs']),
        p['st_mlpv_W1'].T, _row(p['st_mlpv_b1']),
        p['st_mlpv_W2'].T, _row(p['st_mlpv_b2']),
        p['st_Wq'].T, _row(p['st_bq']),
        p['st_Wv'].T, _row(p['st_bv']))

    pbs, pbt = _bn_fold2(p, 'st_pos_bn')
    abs_, abt = _bn_fold2(p, 'st_att_bn')
    z64 = jnp.zeros((1, 64), F32)
    o64 = jnp.ones((1, 64), F32)
    wa2d = p['st_att_W2'].T
    H, fc_rows = _att(
        g, query_t, value_t, tab, value,
        jnp.concatenate([z64, _row(p['st_pos_b1'])], axis=1),
        jnp.concatenate([o64, pbs], axis=1),
        jnp.concatenate([z64, pbt], axis=1),
        jnp.concatenate([jnp.zeros((64, 64), F32), p['st_pos_W2'].T], axis=0),
        _row(p['st_pos_b2']),
        p['st_att_W1'].T, _row(p['st_att_b1']), abs_, abt,
        jnp.concatenate([wa2d, wa2d], axis=1),
        jnp.concatenate([_row(p['st_att_b2']), _row(p['st_att_b2'])], axis=1),
        p['st_We'].T, _row(p['st_be']),
        p['mlpps_W1'].T, _row(p['mlpps_b1']),
        p['mlpps_W2'].T, _row(p['mlpps_b2']),
        jnp.transpose(p['ps_W'], (0, 2, 1)).reshape(32, 256))

    Wdfs = p['mlpdf_Ws'].T
    Wdf1 = p['mlpdf_W1'].T
    kc, po = _fin(fc_rows, H, pts8,
                  Wdfs[:128], Wdfs[128:], _row(p['mlpdf_bs']),
                  Wdf1[:128], Wdf1[128:], _row(p['mlpdf_b1']),
                  p['mlpdf_W2'].T, _row(p['mlpdf_b2']),
                  p['mlpd_W1'].T, _row(p['mlpd_b1']),
                  jnp.pad(p['mlpd_W2'].T, ((0, 0), (0, 5))),
                  jnp.pad(_row(p['mlpd_b2']), ((0, 0), (0, 5))))

    return po[:, :3, :], kc

# --- scband reference (transcript-rebuilt; emitter-appended) ---
"""Pipeline reference for scband-graph-sage-47407849013838 (READ-ONLY COPY).

The authoritative reference and input builder live on the scoring server;
editing this copy changes nothing except your own understanding.
"""

import jax, jax.numpy as jnp
import numpy as np

EPS = 1e-5
B, N, DF, KNN = 4, 2048, 512, 16

def conv1d(x, W, b=None):
    y = jnp.einsum('oc,bcn->bon', W, x)
    if b is not None:
        y = y + b[None, :, None]
    return y

def conv2d(x, W, b=None):
    y = jnp.einsum('oc,bcnk->bonk', W, x)
    if b is not None:
        y = y + b[None, :, None, None]
    return y

def bn_feat(x, g, b, m, v):
    return (x - m) / jnp.sqrt(v + EPS) * g + b

def bn2d(x, g, b, m, v):
    return (x - m[None, :, None, None]) / jnp.sqrt(v[None, :, None, None] + EPS) * g[None, :, None, None] + b[None, :, None, None]

def mlp_conv(x, p, pre):
    h = jax.nn.relu(conv1d(x, p[pre + '_W1'], p[pre + '_b1']))
    return conv1d(h, p[pre + '_W2'], p[pre + '_b2'])

def mlp_res(x, p, pre):
    sc = conv1d(x, p[pre + '_Ws'], p[pre + '_bs'])
    h = jax.nn.relu(conv1d(x, p[pre + '_W1'], p[pre + '_b1']))
    return conv1d(h, p[pre + '_W2'], p[pre + '_b2']) + sc

def knn_idx(pts, k, include_self):
    sq = jnp.sum(pts ** 2, -1)
    d = sq[:, :, None] + sq[:, None, :] - 2.0 * jnp.einsum('bnd,bmd->bnm', pts, pts)
    if not include_self:
        d = d + jnp.eye(pts.shape[1], dtype=pts.dtype)[None] * 1e10
    _, idx = jax.lax.top_k(-d, k)
    return idx

def group(x, idx):
    return jax.vmap(lambda xb, ib: xb[:, ib])(x, idx)

def make_params():
    key = jax.random.key(1)
    ks = iter(jax.random.split(key, 80))
    def W(*s):
        return jax.random.normal(next(ks), s, dtype=jnp.float32) * 0.05
    z = lambda c: jnp.zeros((c,), jnp.float32)
    o = lambda c: jnp.ones((c,), jnp.float32)
    p = {}
    p['mlp1_W1'] = W(64, 3); p['mlp1_b1'] = z(64)
    p['mlp1_W2'] = W(128, 64); p['mlp1_b2'] = z(128)
    for s in ['sage1', 'sage2']:
        p[s + '_Wl'] = W(128, 128); p[s + '_bl'] = z(128); p[s + '_Wr'] = W(128, 128)
    for s in ['bn1', 'bn2']:
        p[s + '_g'] = o(128); p[s + '_b'] = z(128); p[s + '_m'] = z(128); p[s + '_v'] = o(128)
    p['mlp2_W1'] = W(256, 256 + DF); p['mlp2_b1'] = z(256)
    p['mlp2_W2'] = W(128, 256); p['mlp2_b2'] = z(128)
    p['st_mlpv_Ws'] = W(128, 256); p['st_mlpv_bs'] = z(128)
    p['st_mlpv_W1'] = W(128, 256); p['st_mlpv_b1'] = z(128)
    p['st_mlpv_W2'] = W(128, 128); p['st_mlpv_b2'] = z(128)
    p['st_Wk'] = W(64, 128); p['st_bk'] = z(64)
    p['st_Wq'] = W(64, 128); p['st_bq'] = z(64)
    p['st_Wv'] = W(64, 128); p['st_bv'] = z(64)
    p['st_pos_W1'] = W(64, 3); p['st_pos_b1'] = z(64)
    p['st_pos_bng'] = o(64); p['st_pos_bnb'] = z(64); p['st_pos_bnm'] = z(64); p['st_pos_bnv'] = o(64)
    p['st_pos_W2'] = W(64, 64); p['st_pos_b2'] = z(64)
    p['st_att_W1'] = W(256, 64); p['st_att_b1'] = z(256)
    p['st_att_bng'] = o(256); p['st_att_bnb'] = z(256); p['st_att_bnm'] = z(256); p['st_att_bnv'] = o(256)
    p['st_att_W2'] = W(64, 256); p['st_att_b2'] = z(64)
    p['st_We'] = W(128, 64); p['st_be'] = z(128)
    p['mlpps_W1'] = W(64, 128); p['mlpps_b1'] = z(64)
    p['mlpps_W2'] = W(32, 64); p['mlpps_b2'] = z(32)
    p['ps_W'] = W(32, 128, 2)
    p['mlpdf_Ws'] = W(128, 256); p['mlpdf_bs'] = z(128)
    p['mlpdf_W1'] = W(128, 256); p['mlpdf_b1'] = z(128)
    p['mlpdf_W2'] = W(128, 128); p['mlpdf_b2'] = z(128)
    p['mlpd_W1'] = W(64, 128); p['mlpd_b1'] = z(64)
    p['mlpd_W2'] = W(3, 64); p['mlpd_b2'] = z(3)
    return p

def setup_inputs(seed: int = 0):
    key = jax.random.key(seed)
    k1, k2, k3 = jax.random.split(key, 3)
    return {
        'pcd_prev': jax.random.normal(k1, (B, 3, N), dtype=jnp.float32),
        'feat_global': jax.random.normal(k2, (B, DF, 1), dtype=jnp.float32),
        'K_prev': jax.random.normal(k3, (B, 128, N), dtype=jnp.float32),
        'params': make_params(),
    }

def _forward(pcd_prev, feat_global, K_prev, p):
    feat_1 = mlp_conv(pcd_prev, p, 'mlp1')
    pts = jnp.transpose(pcd_prev, (0, 2, 1))
    idx = knn_idx(pts, KNN, include_self=False)
    offs = (jnp.arange(B) * N)[:, None, None]
    src = (idx + offs).reshape(-1)
    dst = jnp.broadcast_to(jnp.arange(N)[None, :, None] + offs, (B, N, KNN)).reshape(-1)
    x = jnp.transpose(feat_1, (0, 2, 1)).reshape(B * N, 128)

    def sage(xin, Wl, bl, Wr):
        msg = xin[src]
        s = jax.ops.segment_sum(msg, dst, num_segments=B * N)
        cnt = jax.ops.segment_sum(jnp.ones((src.shape[0],), xin.dtype), dst, num_segments=B * N)
        mean = s / jnp.maximum(cnt, 1.0)[:, None]
        return mean @ Wl.T + bl + xin @ Wr.T

    h1 = jax.nn.relu(bn_feat(sage(x, p['sage1_Wl'], p['sage1_bl'], p['sage1_Wr']), p['bn1_g'], p['bn1_b'], p['bn1_m'], p['bn1_v']))
    h2 = jax.nn.relu(bn_feat(sage(h1, p['sage2_Wl'], p['sage2_bl'], p['sage2_Wr']), p['bn2_g'], p['bn2_b'], p['bn2_m'], p['bn2_v']))
    h2 = h2 + h1
    feat_sage = jnp.transpose(h2.reshape(B, N, 128), (0, 2, 1))
    feat_max = jnp.max(feat_sage, axis=2, keepdims=True)
    feat_cat = jnp.concatenate([feat_sage, jnp.broadcast_to(feat_max, (B, 128, N)), jnp.broadcast_to(feat_global, (B, DF, N))], axis=1)
    Q = mlp_conv(feat_cat, p, 'mlp2')
    value = mlp_res(jnp.concatenate([K_prev, Q], axis=1), p, 'st_mlpv')
    identity = value
    key_t = conv1d(K_prev, p['st_Wk'], p['st_bk'])
    query_t = conv1d(Q, p['st_Wq'], p['st_bq'])
    value_t = conv1d(value, p['st_Wv'], p['st_bv'])
    idx2 = knn_idx(pts, KNN, include_self=True)
    key_g = group(key_t, idx2)
    qk_rel = query_t[:, :, :, None] - key_g
    pos_rel = pcd_prev[:, :, :, None] - group(pcd_prev, idx2)
    pe = conv2d(pos_rel, p['st_pos_W1'], p['st_pos_b1'])
    pe = jax.nn.relu(bn2d(pe, p['st_pos_bng'], p['st_pos_bnb'], p['st_pos_bnm'], p['st_pos_bnv']))
    pe = conv2d(pe, p['st_pos_W2'], p['st_pos_b2'])
    att = conv2d(qk_rel + pe, p['st_att_W1'], p['st_att_b1'])
    att = jax.nn.relu(bn2d(att, p['st_att_bng'], p['st_att_bnb'], p['st_att_bnm'], p['st_att_bnv']))
    att = conv2d(att, p['st_att_W2'], p['st_att_b2'])
    att = jax.nn.softmax(att, axis=-1)
    val4 = value_t[:, :, :, None] + pe
    agg = jnp.sum(att * val4, axis=-1)
    H = conv1d(agg, p['st_We'], p['st_be']) + identity
    fc = mlp_conv(H, p, 'mlpps')
    y = jnp.einsum('bcn,cok->bonk', fc, p['ps_W'])
    feat_child = y.reshape(B, 128, N * 2)
    H_up = jnp.repeat(H, 2, axis=2)
    K_curr = mlp_res(jnp.concatenate([feat_child, H_up], axis=1), p, 'mlpdf')
    delta = mlp_conv(jax.nn.relu(K_curr), p, 'mlpd')
    delta = jnp.tanh(delta) / (float(1) ** 0)
    pcd_child = jnp.repeat(pcd_prev, 2, axis=2) + delta
    return pcd_child, K_curr

def reference(pcd_prev, feat_global, K_prev, params):
    return _forward(pcd_prev, feat_global, K_prev, params)

if __name__ == "__main__":
    import jax
    _d = setup_inputs()
    print(jax.jit(kernel)(*tuple(_d.values())))

</pallas_src>

<mosaic_0001>
#map = affine_map<(d0, d1) -> (0, 0)>
#map1 = affine_map<(d0, d1) -> (0)>
module attributes {stable_mosaic.version = 14 : i64} {
  func.func @k(%arg0: i32, %arg1: i32, %arg2: memref<8192x128xf32, #tpu.memory_space<hbm>>, %arg3: memref<131072xi32, #tpu.memory_space<hbm>>, %arg4: memref<131072x128xf32, #tpu.memory_space<hbm>>, %arg5: memref<128xi32, #tpu.memory_space<vmem>>, %arg6: memref<128x128xf32, #tpu.memory_space<vmem>>, %arg7: memref<!tpu.dma_semaphore, #tpu.memory_space<semaphore_mem>>) attributes {dimension_semantics = [#tpu.dimension_semantics<core_parallel>, #tpu.dimension_semantics<subcore_parallel>], iteration_bounds = array<i64: 2, 16>, scalar_prefetch = 0 : i64, scratch_operands = 3 : i64, tpu.core_type = #tpu.core_type<sc_vector_subcore>, window_params = [{transform_indices = #map}, {transform_indices = #map1}, {transform_indices = #map}]} {
    %mul3A = arith.constant 2 : i32
    %mul3A_0 = arith.muli %arg1, %mul3A : i32
    %add3A = arith.addi %mul3A_0, %arg0 : i32
    %mul3A_1 = arith.constant 4096 : i32
    %mul3A_2 = arith.muli %add3A, %mul3A_1 : i32
    %scan3A = arith.constant 0 : i32
    %scan3A_3 = arith.constant 0 : i32
    %scan3A_4 = arith.constant 32 : i32
    %scan3A_5 = arith.addi %scan3A_3, %scan3A_4 : i32
    %scan3A_6 = arith.constant 1 : i32
    scf.for %scan3A_8 = %scan3A_3 to %scan3A_5 step %scan3A_6  : i32 {
      %mul3A_9 = arith.constant 128 : i32
      %mul3A_10 = arith.muli %scan3A_8, %mul3A_9 : i32
      %add3A_11 = arith.addi %mul3A_2, %mul3A_10 : i32
      "tpu.region"() ({
        %run_scoped3A = tpu.sem_alloc : memref<!tpu.dma_semaphore, #tpu.memory_space<semaphore_mem>>
        %dma_start3A_16 = tpu.memref_slice %arg3[%add3A_11] : memref<131072xi32, #tpu.memory_space<hbm>> -> memref<128xi32, #tpu.memory_space<hbm>>
        %dma_start3A_17 = tpu.memref_slice %arg3[%add3A_11] : memref<131072xi32, #tpu.memory_space<hbm>> -> memref<128xi32, #tpu.memory_space<hbm>>
        tpu.enqueue_dma source(%dma_start3A_17 : memref<128xi32, #tpu.memory_space<hbm>>) target(%arg5 : memref<128xi32, #tpu.memory_space<vmem>>) target_semaphore(%run_scoped3A : memref<!tpu.dma_semaphore, #tpu.memory_space<semaphore_mem>>)
        %dma_wait3A_18 = tpu.memref_slice %arg3[%add3A_11] : memref<131072xi32, #tpu.memory_space<hbm>> -> memref<128xi32, #tpu.memory_space<hbm>>
        %dma_wait3A_19 = tpu.memref_slice %arg3[%add3A_11] : memref<131072xi32, #tpu.memory_space<hbm>> -> memref<128xi32, #tpu.memory_space<hbm>>
        tpu.wait_dma2 semaphore(%run_scoped3A : memref<!tpu.dma_semaphore, #tpu.memory_space<semaphore_mem>>) src(%dma_wait3A_19 : memref<128xi32, #tpu.memory_space<hbm>>) dst(%arg5 : memref<128xi32, #tpu.memory_space<vmem>>)
        tpu.yield
      }) : () -> ()
      %dma_start3A = arith.constant 0 : i32
      %dma_start3A_12 = arith.constant 0 : i32
      %dma_start3A_13 = tpu.memref_slice %arg2[%dma_start3A, %dma_start3A_12] : memref<8192x128xf32, #tpu.memory_space<hbm>> -> memref<8192x128xf32, #tpu.memory_space<hbm>>
      tpu.enqueue_indirect_dma source(%dma_start3A_13 : memref<8192x128xf32, #tpu.memory_space<hbm>>) target(%arg6 : memref<128x128xf32, #tpu.memory_space<vmem>>) offsets(%arg5 : memref<128xi32, #tpu.memory_space<vmem>>) semaphore(%arg7 : memref<!tpu.dma_semaphore, #tpu.memory_space<semaphore_mem>>)
      %dma_wait3A = arith.constant 0 : i32
      %dma_wait3A_14 = arith.constant 0 : i32
      %dma_wait3A_15 = tpu.memref_slice %arg2[%dma_wait3A, %dma_wait3A_14] : memref<8192x128xf32, #tpu.memory_space<hbm>> -> memref<8192x128xf32, #tpu.memory_space<hbm>>
      tpu.wait_indirect_dma semaphore(%arg7 : memref<!tpu.dma_semaphore, #tpu.memory_space<semaphore_mem>>) src(%dma_wait3A_15 : memref<8192x128xf32, #tpu.memory_space<hbm>>) dst(%arg6 : memref<128x128xf32, #tpu.memory_space<vmem>>)
      "tpu.region"() ({
        %run_scoped3A = tpu.sem_alloc : memref<!tpu.dma_semaphore, #tpu.memory_space<semaphore_mem>>
        %dma_start3A_16 = arith.constant 0 : i32
        %dma_start3A_17 = tpu.memref_slice %arg4[%add3A_11, %dma_start3A_16] : memref<131072x128xf32, #tpu.memory_space<hbm>> -> memref<128x128xf32, #tpu.memory_space<hbm>>
        %dma_start3A_18 = arith.constant 0 : i32
        %dma_start3A_19 = tpu.memref_slice %arg4[%add3A_11, %dma_start3A_18] : memref<131072x128xf32, #tpu.memory_space<hbm>> -> memref<128x128xf32, #tpu.memory_space<hbm>>
        tpu.enqueue_dma source(%arg6 : memref<128x128xf32, #tpu.memory_space<vmem>>) target(%dma_start3A_19 : memref<128x128xf32, #tpu.memory_space<hbm>>) target_semaphore(%run_scoped3A : memref<!tpu.dma_semaphore, #tpu.memory_space<semaphore_mem>>)
        %dma_wait3A_20 = arith.constant 0 : i32
        %dma_wait3A_21 = tpu.memref_slice %arg4[%add3A_11, %dma_wait3A_20] : memref<131072x128xf32, #tpu.memory_space<hbm>> -> memref<128x128xf32, #tpu.memory_space<hbm>>
        %dma_wait3A_22 = arith.constant 0 : i32
        %dma_wait3A_23 = tpu.memref_slice %arg4[%add3A_11, %dma_wait3A_22] : memref<131072x128xf32, #tpu.memory_space<hbm>> -> memref<128x128xf32, #tpu.memory_space<hbm>>
        tpu.wait_dma2 semaphore(%run_scoped3A : memref<!tpu.dma_semaphore, #tpu.memory_space<semaphore_mem>>) src(%arg6 : memref<128x128xf32, #tpu.memory_space<vmem>>) dst(%dma_wait3A_23 : memref<128x128xf32, #tpu.memory_space<hbm>>)
        tpu.yield
      }) : () -> ()
    }
    %scan3A_7 = arith.constant 32 : i32
    return
  }
}

module attributes {stable_mosaic.version = 14 : i64} {
  func.func @_knn_body(%arg0: i32, %arg1: i32, %arg2: memref<1x256x8xf32, #tpu.memory_space<vmem>>, %arg3: memref<1x2048x8xf32, #tpu.memory_space<vmem>>, %arg4: memref<1x8xf32, #tpu.memory_space<vmem>>, %arg5: memref<1x256x2048xbf16, #tpu.memory_space<vmem>>, %arg6: memref<1x256x16xi32, #tpu.memory_space<vmem>>) attributes {dimension_semantics = [#tpu.dimension_semantics<arbitrary>, #tpu.dimension_semantics<arbitrary>], iteration_bounds = array<i64: 4, 8>, scalar_prefetch = 0 : i64, scratch_operands = 0 : i64, tpu.core_type = #tpu.core_type<tc>, window_params = [{transform_indices = @transform_0, window_bounds = array<i64: 1, 256, 8>}, {transform_indices = @transform_1, window_bounds = array<i64: 1, 2048, 8>}, {pipeline_mode = #tpu.pipeline_mode<synchronous>, transform_indices = @transform_2, window_bounds = array<i64: 1, 8>}, {transform_indices = @transform_3, window_bounds = array<i64: 1, 256, 2048>}, {transform_indices = @transform_4, window_bounds = array<i64: 1, 256, 16>}]} {
    %get3A = arith.constant 0 : index
    %get3A_0 = arith.constant 0 : index
    %get3A_1 = arith.constant 0 : index
    %get3A_2 = vector.load %arg2[%get3A, %get3A_0, %get3A_1] : memref<1x256x8xf32, #tpu.memory_space<vmem>>, vector<1x256x8xf32>
    %get3A_3 = vector.shape_cast %get3A_2 : vector<1x256x8xf32> to vector<256x8xf32>
    %get3A_4 = arith.constant 0 : index
    %get3A_5 = arith.constant 0 : index
    %get3A_6 = arith.constant 0 : index
    %get3A_7 = vector.load %arg3[%get3A_4, %get3A_5, %get3A_6] : memref<1x2048x8xf32, #tpu.memory_space<vmem>>, vector<1x2048x8xf32>
    %get3A_8 = vector.shape_cast %get3A_7 : vector<1x2048x8xf32> to vector<2048x8xf32>
    %mul3A = arith.mulf %get3A_3, %get3A_3 : vector<256x8xf32>
    %reduce_sum3A = arith.constant dense<0.000000e+00> : vector<256xf32>
    %reduce_sum3A_9 = vector.multi_reduction <add>, %mul3A, %reduce_sum3A [1] : vector<256x8xf32> to vector<256xf32>
    %broadcast_in_dim3A = vector.shape_cast %reduce_sum3A_9 : vector<256xf32> to vector<256x1xf32>
    %get3A_10 = arith.constant 0 : index
    %get3A_11 = arith.constant 0 : index
    %get3A_12 = vector.load %arg4[%get3A_10, %get3A_11] : memref<1x8xf32, #tpu.memory_space<vmem>>, vector<1x8xf32>
    %mul3A_13 = arith.mulf %get3A_8, %get3A_8 : vector<2048x8xf32>
    %dot_general3A = arith.constant dense<0.000000e+00> : vector<1x2048xf32>
    %dot_general3A_14 = tpu.matmul %get3A_12, %mul3A_13, %dot_general3A {dimension_numbers = #tpu.dot_dimension_numbers<[1], [1], [0], [0], [0, 0, 1, 0], [], []>, transpose_lhs_hint = false} : vector<1x8xf32>, vector<2048x8xf32>, vector<1x2048xf32> -> vector<1x2048xf32>
    %dot_general3A_15 = arith.constant dense<0.000000e+00> : vector<256x2048xf32>
    %dot_general3A_16 = tpu.matmul %get3A_3, %get3A_8, %dot_general3A_15 {dimension_numbers = #tpu.dot_dimension_numbers<[1], [1], [0], [0], [0, 0, 1, 0], [], []>, transpose_lhs_hint = false} : vector<256x8xf32>, vector<2048x8xf32>, vector<256x2048xf32> -> vector<256x2048xf32>
    %add3A = vector.broadcast %broadcast_in_dim3A : vector<256x1xf32> to vector<256x2048xf32>
    %add3A_17 = vector.broadcast %dot_general3A_14 : vector<1x2048xf32> to vector<256x2048xf32>
    %add3A_18 = arith.addf %add3A, %add3A_17 : vector<256x2048xf32>
    %mul3A_19 = arith.constant 2.000000e+00 : f32
    %mul3A_20 = vector.broadcast %mul3A_19 : f32 to vector<256x2048xf32>
    %mul3A_21 = arith.mulf %mul3A_20, %dot_general3A_16 : vector<256x2048xf32>
    %sub3A = arith.subf %add3A_18, %mul3A_21 : vector<256x2048xf32>
    %iota3A = tpu.iota {dimensions = array<i32: 1>} : vector<256x2048xi32>
    %mul3A_22 = arith.constant 256 : i32
    %mul3A_23 = arith.muli %arg1, %mul3A_22 : i32
    %iota3A_24 = tpu.iota {dimensions = array<i32: 0>} : vector<256x1xi32>
    %add3A_25 = vector.broadcast %mul3A_23 : i32 to vector<256x1xi32>
    %add3A_26 = arith.addi %add3A_25, %iota3A_24 : vector<256x1xi32>
    %eq3A = vector.broadcast %add3A_26 : vector<256x1xi32> to vector<256x2048xi32>
    %eq3A_27 = arith.cmpi eq, %iota3A, %eq3A : vector<256x2048xi32>
    %jit3A = arith.constant 1.000000e+30 : f32
    %broadcast_in_dim3A_28 = vector.broadcast %jit3A : f32 to vector<256x2048xf32>
    %select_n3A = arith.select %eq3A_27, %broadcast_in_dim3A_28, %sub3A : vector<256x2048xi1>, vector<256x2048xf32>
    %convert_element_type3A = arith.sitofp %iota3A : vector<256x2048xi32> to vector<256x2048xf32>
    %reduce_min3A = arith.constant dense<0x7F800000> : vector<256xf32>
    %reduce_min3A_29 = vector.multi_reduction <minimumf>, %select_n3A, %reduce_min3A [1] : vector<256x2048xf32> to vector<256xf32>
    %broadcast_in_dim3A_30 = vector.shape_cast %reduce_min3A_29 : vector<256xf32> to vector<256x1xf32>
    %eq3A_31 = vector.broadcast %broadcast_in_dim3A_30 : vector<256x1xf32> to vector<256x2048xf32>
    %eq3A_32 = arith.cmpf oeq, %select_n3A, %eq3A_31 : vector<256x2048xf32>
    %jit3A_33 = arith.constant 2.048000e+03 : f32
    %broadcast_in_dim3A_34 = vector.broadcast %jit3A_33 : f32 to vector<256x2048xf32>
    %select_n3A_35 = arith.select %eq3A_32, %convert_element_type3A, %broadcast_in_dim3A_34 : vector<256x2048xi1>, vector<256x2048xf32>
    %reduce_min3A_36 = arith.constant dense<0x7F800000> : vector<256xf32>
    %reduce_min3A_37 = vector.multi_reduction <minimumf>, %select_n3A_35, %reduce_min3A_36 [1] : vector<256x2048xf32> to vector<256xf32>
    %broadcast_in_dim3A_38 = vector.shape_cast %reduce_min3A_37 : vector<256xf32> to vector<256x1xf32>
    %jit3A_39 = arith.constant 1.000000e+30 : f32
    %broadcast_in_dim3A_40 = vector.broadcast %jit3A_39 : f32 to vector<256x2048xf32>
    %select_n3A_41 = arith.select %eq3A_32, %broadcast_in_dim3A_40, %select_n3A : vector<256x2048xi1>, vector<256x2048xf32>
    %reduce_min3A_42 = arith.constant dense<0x7F800000> : vector<256xf32>
    %reduce_min3A_43 = vector.multi_reduction <minimumf>, %select_n3A_41, %reduce_min3A_42 [1] : vector<256x2048xf32> to vector<256xf32>
    %broadcast_in_dim3A_44 = vector.shape_cast %reduce_min3A_43 : vector<256xf32> to vector<256x1xf32>
    %eq3A_45 = vector.broadcast %broadcast_in_dim3A_44 : vector<256x1xf32> to vector<256x2048xf32>
    %eq3A_46 = arith.cmpf oeq, %select_n3A_41, %eq3A_45 : vector<256x2048xf32>
    %jit3A_47 = arith.constant 2.048000e+03 : f32
    %broadcast_in_dim3A_48 = vector.broadcast %jit3A_47 : f32 to vector<256x2048xf32>
    %select_n3A_49 = arith.select %eq3A_46, %convert_element_type3A, %broadcast_in_dim3A_48 : vector<256x2048xi1>, vector<256x2048xf32>
    %reduce_min3A_50 = arith.constant dense<0x7F800000> : vector<256xf32>
    %reduce_min3A_51 = vector.multi_reduction <minimumf>, %select_n3A_49, %reduce_min3A_50 [1] : vector<256x2048xf32> to vector<256xf32>
    %broadcast_in_dim3A_52 = vector.shape_cast %reduce_min3A_51 : vector<256xf32> to vector<256x1xf32>
    %jit3A_53 = arith.constant 1.000000e+30 : f32
    %broadcast_in_dim3A_54 = vector.broadcast %jit3A_53 : f32 to vector<256x2048xf32>
    %select_n3A_55 = arith.select %eq3A_46, %broadcast_in_dim3A_54, %select_n3A_41 : vector<256x2048xi1>, vector<256x2048xf32>
    %reduce_min3A_56 = arith.constant dense<0x7F800000> : vector<256xf32>
    %reduce_min3A_57 = vector.multi_reduction <minimumf>, %select_n3A_55, %reduce_min3A_56 [1] : vector<256x2048xf32> to vector<256xf32>
    %broadcast_in_dim3A_58 = vector.shape_cast %reduce_min3A_57 : vector<256xf32> to vector<256x1xf32>
    %eq3A_59 = vector.broadcast %broadcast_in_dim3A_58 : vector<256x1xf32> to vector<256x2048xf32>
    %eq3A_60 = arith.cmpf oeq, %select_n3A_55, %eq3A_59 : vector<256x2048xf32>
    %jit3A_61 = arith.constant 2.048000e+03 : f32
    %broadcast_in_dim3A_62 = vector.broadcast %jit3A_61 : f32 to vector<256x2048xf32>
    %select_n3A_63 = arith.select %eq3A_60, %convert_element_type3A, %broadcast_in_dim3A_62 : vector<256x2048xi1>, vector<256x2048xf32>
    %reduce_min3A_64 = arith.constant dense<0x7F800000> : vector<256xf32>
    %reduce_min3A_65 = vector.multi_reduction <minimumf>, %select_n3A_63, %reduce_min3A_64 [1] : vector<256x2048xf32> to vector<256xf32>
    %broadcast_in_dim3A_66 = vector.shape_cast %reduce_min3A_65 : vector<256xf32> to vector<256x1xf32>
    %jit3A_67 = arith.constant 1.000000e+30 : f32
    %broadcast_in_dim3A_68 = vector.broadcast %jit3A_67 : f32 to vector<256x2048xf32>
    %select_n3A_69 = arith.select %eq3A_60, %broadcast_in_dim3A_68, %select_n3A_55 : vector<256x2048xi1>, vector<256x2048xf32>
    %reduce_min3A_70 = arith.constant dense<0x7F800000> : vector<256xf32>
    %reduce_min3A_71 = vector.multi_reduction <minimumf>, %select_n3A_69, %reduce_min3A_70 [1] : vector<256x2048xf32> to vector<256xf32>
    %broadcast_in_dim3A_72 = vector.shape_cast %reduce_min3A_71 : vector<256xf32> to vector<256x1xf32>
    %eq3A_73 = vector.broadcast %broadcast_in_dim3A_72 : vector<256x1xf32> to vector<256x2048xf32>
    %eq3A_74 = arith.cmpf oeq, %select_n3A_69, %eq3A_73 : vector<256x2048xf32>
    %jit3A_75 = arith.constant 2.048000e+03 : f32
    %broadcast_in_dim3A_76 = vector.broadcast %jit3A_75 : f32 to vector<256x2048xf32>
    %select_n3A_77 = arith.select %eq3A_74, %convert_element_type3A, %broadcast_in_dim3A_76 : vector<256x2048xi1>, vector<256x2048xf32>
    %reduce_min3A_78 = arith.constant dense<0x7F800000> : vector<256xf32>
    %reduce_min3A_79 = vector.multi_reduction <minimumf>, %select_n3A_77, %reduce_min3A_78 [1] : vector<256x2048xf32> to vector<256xf32>
    %broadcast_in_dim3A_80 = vector.shape_cast %reduce_min3A_79 : vector<256xf32> to vector<256x1xf32>
    %jit3A_81 = arith.constant 1.000000e+30 : f32
    %broadcast_in_dim3A_82 = vector.broadcast %jit3A_81 : f32 to vector<256x2048xf32>
    %select_n3A_83 = arith.select %eq3A_74, %broadcast_in_dim3A_82, %select_n3A_69 : vector<256x2048xi1>, vector<256x2048xf32>
    %reduce_min3A_84 = arith.constant dense<0x7F800000> : vector<256xf32>
    %reduce_min3A_85 = vector.multi_reduction <minimumf>, %select_n3A_83, %reduce_min3A_84 [1] : vector<256x2048xf32> to vector<256xf32>
    %broadcast_in_dim3A_86 = vector.shape_cast %reduce_min3A_85 : vector<256xf32> to vector<256x1xf32>
    %eq3A_87 = vector.broadcast %broadcast_in_dim3A_86 : vector<256x1xf32> to vector<256x2048xf32>
    %eq3A_88 = arith.cmpf oeq, %select_n3A_83, %eq3A_87 : vector<256x2048xf32>
    %jit3A_89 = arith.constant 2.048000e+03 : f32
    %broadcast_in_dim3A_90 = vector.broadcast %jit3A_89 : f32 to vector<256x2048xf32>
    %select_n3A_91 = arith.select %eq3A_88, %convert_element_type3A, %broadcast_in_dim3A_90 : vector<256x2048xi1>, vector<256x2048xf32>
    %reduce_min3A_92 = arith.constant dense<0x7F800000> : vector<256xf32>
    %reduce_min3A_93 = vector.multi_reduction <minimumf>, %select_n3A_91, %reduce_min3A_92 [1] : vector<256x2048xf32> to vector<256xf32>
    %broadcast_in_dim3A_94 = vector.shape_cast %reduce_min3A_93 : vector<256xf32> to vector<256x1xf32>
    %jit3A_95 = arith.constant 1.000000e+30 : f32
    %broadcast_in_dim3A_96 = vector.broadcast %jit3A_95 : f32 to vector<256x2048xf32>
    %select_n3A_97 = arith.select %eq3A_88, %broadcast_in_dim3A_96, %select_n3A_83 : vector<256x2048xi1>, vector<256x2048xf32>
    %reduce_min3A_98 = arith.constant dense<0x7F800000> : vector<256xf32>
    %reduce_min3A_99 = vector.multi_reduction <minimumf>, %select_n3A_97, %reduce_min3A_98 [1] : vector<256x2048xf32> to vector<256xf32>
    %broadcast_in_dim3A_100 = vector.shape_cast %reduce_min3A_99 : vector<256xf32> to vector<256x1xf32>
    %eq3A_101 = vector.broadcast %broadcast_in_dim3A_100 : vector<256x1xf32> to vector<256x2048xf32>
    %eq3A_102 = arith.cmpf oeq, %select_n3A_97, %eq3A_101 : vector<256x2048xf32>
    %jit3A_103 = arith.constant 2.048000e+03 : f32
    %broadcast_in_dim3A_104 = vector.broadcast %jit3A_103 : f32 to vector<256x2048xf32>
    %select_n3A_105 = arith.select %eq3A_102, %convert_element_type3A, %broadcast_in_dim3A_104 : vector<256x2048xi1>, vector<256x2048xf32>
    %reduce_min3A_106 = arith.constant dense<0x7F800000> : vector<256xf32>
    %reduce_min3A_107 = vector.multi_reduction <minimumf>, %select_n3A_105, %reduce_min3A_106 [1] : vector<256x2048xf32> to vector<256xf32>
    %broadcast_in_dim3A_108 = vector.shape_cast %reduce_min3A_107 : vector<256xf32> to vector<256x1xf32>
    %jit3A_109 = arith.constant 1.000000e+30 : f32
    %broadcast_in_dim3A_110 = vector.broadcast %jit3A_109 : f32 to vector<256x2048xf32>
    %select_n3A_111 = arith.select %eq3A_102, %broadcast_in_dim3A_110, %select_n3A_97 : vector<256x2048xi1>, vector<256x2048xf32>
    %reduce_min3A_112 = arith.constant dense<0x7F800000> : vector<256xf32>
    %reduce_min3A_113 = vector.multi_reduction <minimumf>, %select_n3A_111, %reduce_min3A_112 [1] : vector<256x2048xf32> to vector<256xf32>
    %broadcast_in_dim3A_114 = vector.shape_cast %reduce_min3A_113 : vector<256xf32> to vector<256x1xf32>
    %eq3A_115 = vector.broadcast %broadcast_in_dim3A_114 : vector<256x1xf32> to vector<256x2048xf32>
    %eq3A_116 = arith.cmpf oeq, %select_n3A_111, %eq3A_115 : vector<256x2048xf32>
    %jit3A_117 = arith.constant 2.048000e+03 : f32
    %broadcast_in_dim3A_118 = vector.broadcast %jit3A_117 : f32 to vector<256x2048xf32>
    %select_n3A_119 = arith.select %eq3A_116, %convert_element_type3A, %broadcast_in_dim3A_118 : vector<256x2048xi1>, vector<256x2048xf32>
    %reduce_min3A_120 = arith.constant dense<0x7F800000> : vector<256xf32>
    %reduce_min3A_121 = vector.multi_reduction <minimumf>, %select_n3A_119, %reduce_min3A_120 [1] : vector<256x2048xf32> to vector<256xf32>
    %broadcast_in_dim3A_122 = vector.shape_cast %reduce_min3A_121 : vector<256xf32> to vector<256x1xf32>
    %jit3A_123 = arith.constant 1.000000e+30 : f32
    %broadcast_in_dim3A_124 = vector.broadcast %jit3A_123 : f32 to vector<256x2048xf32>
    %select_n3A_125 = arith.select %eq3A_116, %broadcast_in_dim3A_124, %select_n3A_111 : vector<256x2048xi1>, vector<256x2048xf32>
    %reduce_min3A_126 = arith.constant dense<0x7F800000> : vector<256xf32>
    %reduce_min3A_127 = vector.multi_reduction <minimumf>, %select_n3A_125, %reduce_min3A_126 [1] : vector<256x2048xf32> to vector<256xf32>
    %broadcast_in_dim3A_128 = vector.shape_cast %reduce_min3A_127 : vector<256xf32> to vector<256x1xf32>
    %eq3A_129 = vector.broadcast %broadcast_in_dim3A_128 : vector<256x1xf32> to vector<256x2048xf32>
    %eq3A_130 = arith.cmpf oeq, %select_n3A_125, %eq3A_129 : vector<256x2048xf32>
    %jit3A_131 = arith.constant 2.048000e+03 : f32
    %broadcast_in_dim3A_132 = vector.broadcast %jit3A_131 : f32 to vector<256x2048xf32>
    %select_n3A_133 = arith.select %eq3A_130, %convert_element_type3A, %broadcast_in_dim3A_132 : vector<256x2048xi1>, vector<256x2048xf32>
    %reduce_min3A_134 = arith.constant dense<0x7F800000> : vector<256xf32>
    %reduce_min3A_135 = vector.multi_reduction <minimumf>, %select_n3A_133, %reduce_min3A_134 [1] : vector<256x2048xf32> to vector<256xf32>
    %broadcast_in_dim3A_136 = vector.shape_cast %reduce_min3A_135 : vector<256xf32> to vector<256x1xf32>
    %jit3A_137 = arith.constant 1.000000e+30 : f32
    %broadcast_in_dim3A_138 = vector.broadcast %jit3A_137 : f32 to vector<256x2048xf32>
    %select_n3A_139 = arith.select %eq3A_130, %broadcast_in_dim3A_138, %select_n3A_125 : vector<256x2048xi1>, vector<256x2048xf32>
    %reduce_min3A_140 = arith.constant dense<0x7F800000> : vector<256xf32>
    %reduce_min3A_141 = vector.multi_reduction <minimumf>, %select_n3A_139, %reduce_min3A_140 [1] : vector<256x2048xf32> to vector<256xf32>
    %broadcast_in_dim3A_142 = vector.shape_cast %reduce_min3A_141 : vector<256xf32> to vector<256x1xf32>
    %eq3A_143 = vector.broadcast %broadcast_in_dim3A_142 : vector<256x1xf32> to vector<256x2048xf32>
    %eq3A_144 = arith.cmpf oeq, %select_n3A_139, %eq3A_143 : vector<256x2048xf32>
    %jit3A_145 = arith.constant 2.048000e+03 : f32
    %broadcast_in_dim3A_146 = vector.broadcast %jit3A_145 : f32 to vector<256x2048xf32>
    %select_n3A_147 = arith.select %eq3A_144, %convert_element_type3A, %broadcast_in_dim3A_146 : vector<256x2048xi1>, vector<256x2048xf32>
    %reduce_min3A_148 = arith.constant dense<0x7F800000> : vector<256xf32>
    %reduce_min3A_149 = vector.multi_reduction <minimumf>, %select_n3A_147, %reduce_min3A_148 [1] : vector<256x2048xf32> to vector<256xf32>
    %broadcast_in_dim3A_150 = vector.shape_cast %reduce_min3A_149 : vector<256xf32> to vector<256x1xf32>
    %jit3A_151 = arith.constant 1.000000e+30 : f32
    %broadcast_in_dim3A_152 = vector.broadcast %jit3A_151 : f32 to vector<256x2048xf32>
    %select_n3A_153 = arith.select %eq3A_144, %broadcast_in_dim3A_152, %select_n3A_139 : vector<256x2048xi1>, vector<256x2048xf32>
    %reduce_min3A_154 = arith.constant dense<0x7F800000> : vector<256xf32>
    %reduce_min3A_155 = vector.multi_reduction <minimumf>, %select_n3A_153, %reduce_min3A_154 [1] : vector<256x2048xf32> to vector<256xf32>
    %broadcast_in_dim3A_156 = vector.shape_cast %reduce_min3A_155 : vector<256xf32> to vector<256x1xf32>
    %eq3A_157 = vector.broadcast %broadcast_in_dim3A_156 : vector<256x1xf32> to vector<256x2048xf32>
    %eq3A_158 = arith.cmpf oeq, %select_n3A_153, %eq3A_157 : vector<256x2048xf32>
    %jit3A_159 = arith.constant 2.048000e+03 : f32
    %broadcast_in_dim3A_160 = vector.broadcast %jit3A_159 : f32 to vector<256x2048xf32>
    %select_n3A_161 = arith.select %eq3A_158, %convert_element_type3A, %broadcast_in_dim3A_160 : vector<256x2048xi1>, vector<256x2048xf32>
    %reduce_min3A_162 = arith.constant dense<0x7F800000> : vector<256xf32>
    %reduce_min3A_163 = vector.multi_reduction <minimumf>, %select_n3A_161, %reduce_min3A_162 [1] : vector<256x2048xf32> to vector<256xf32>
    %broadcast_in_dim3A_164 = vector.shape_cast %reduce_min3A_163 : vector<256xf32> to vector<256x1xf32>
    %jit3A_165 = arith.constant 1.000000e+30 : f32
    %broadcast_in_dim3A_166 = vector.broadcast %jit3A_165 : f32 to vector<256x2048xf32>
    %select_n3A_167 = arith.select %eq3A_158, %broadcast_in_dim3A_166, %select_n3A_153 : vector<256x2048xi1>, vector<256x2048xf32>
    %reduce_min3A_168 = arith.constant dense<0x7F800000> : vector<256xf32>
    %reduce_min3A_169 = vector.multi_reduction <minimumf>, %select_n3A_167, %reduce_min3A_168 [1] : vector<256x2048xf32> to vector<256xf32>
    %broadcast_in_dim3A_170 = vector.shape_cast %reduce_min3A_169 : vector<256xf32> to vector<256x1xf32>
    %eq3A_171 = vector.broadcast %broadcast_in_dim3A_170 : vector<256x1xf32> to vector<256x2048xf32>
    %eq3A_172 = arith.cmpf oeq, %select_n3A_167, %eq3A_171 : vector<256x2048xf32>
    %jit3A_173 = arith.constant 2.048000e+03 : f32
    %broadcast_in_dim3A_174 = vector.broadcast %jit3A_173 : f32 to vector<256x2048xf32>
    %select_n3A_175 = arith.select %eq3A_172, %convert_element_type3A, %broadcast_in_dim3A_174 : vector<256x2048xi1>, vector<256x2048xf32>
    %reduce_min3A_176 = arith.constant dense<0x7F800000> : vector<256xf32>
    %reduce_min3A_177 = vector.multi_reduction <minimumf>, %select_n3A_175, %reduce_min3A_176 [1] : vector<256x2048xf32> to vector<256xf32>
    %broadcast_in_dim3A_178 = vector.shape_cast %reduce_min3A_177 : vector<256xf32> to vector<256x1xf32>
    %jit3A_179 = arith.constant 1.000000e+30 : f32
    %broadcast_in_dim3A_180 = vector.broadcast %jit3A_179 : f32 to vector<256x2048xf32>
    %select_n3A_181 = arith.select %eq3A_172, %broadcast_in_dim3A_180, %select_n3A_167 : vector<256x2048xi1>, vector<256x2048xf32>
    %reduce_min3A_182 = arith.constant dense<0x7F800000> : vector<256xf32>
    %reduce_min3A_183 = vector.multi_reduction <minimumf>, %select_n3A_181, %reduce_min3A_182 [1] : vector<256x2048xf32> to vector<256xf32>
    %broadcast_in_dim3A_184 = vector.shape_cast %reduce_min3A_183 : vector<256xf32> to vector<256x1xf32>
    %eq3A_185 = vector.broadcast %broadcast_in_dim3A_184 : vector<256x1xf32> to vector<256x2048xf32>
    %eq3A_186 = arith.cmpf oeq, %select_n3A_181, %eq3A_185 : vector<256x2048xf32>
    %jit3A_187 = arith.constant 2.048000e+03 : f32
    %broadcast_in_dim3A_188 = vector.broadcast %jit3A_187 : f32 to vector<256x2048xf32>
    %select_n3A_189 = arith.select %eq3A_186, %convert_element_type3A, %broadcast_in_dim3A_188 : vector<256x2048xi1>, vector<256x2048xf32>
    %reduce_min3A_190 = arith.constant dense<0x7F800000> : vector<256xf32>
    %reduce_min3A_191 = vector.multi_reduction <minimumf>, %select_n3A_189, %reduce_min3A_190 [1] : vector<256x2048xf32> to vector<256xf32>
    %broadcast_in_dim3A_192 = vector.shape_cast %reduce_min3A_191 : vector<256xf32> to vector<256x1xf32>
    %jit3A_193 = arith.constant 1.000000e+30 : f32
    %broadcast_in_dim3A_194 = vector.broadcast %jit3A_193 : f32 to vector<256x2048xf32>
    %select_n3A_195 = arith.select %eq3A_186, %broadcast_in_dim3A_194, %select_n3A_181 : vector<256x2048xi1>, vector<256x2048xf32>
    %reduce_min3A_196 = arith.constant dense<0x7F800000> : vector<256xf32>
    %reduce_min3A_197 = vector.multi_reduction <minimumf>, %select_n3A_195, %reduce_min3A_196 [1] : vector<256x2048xf32> to vector<256xf32>
    %broadcast_in_dim3A_198 = vector.shape_cast %reduce_min3A_197 : vector<256xf32> to vector<256x1xf32>
    %eq3A_199 = vector.broadcast %broadcast_in_dim3A_198 : vector<256x1xf32> to vector<256x2048xf32>
    %eq3A_200 = arith.cmpf oeq, %select_n3A_195, %eq3A_199 : vector<256x2048xf32>
    %jit3A_201 = arith.constant 2.048000e+03 : f32
    %broadcast_in_dim3A_202 = vector.broadcast %jit3A_201 : f32 to vector<256x2048xf32>
    %select_n3A_203 = arith.select %eq3A_200, %convert_element_type3A, %broadcast_in_dim3A_202 : vector<256x2048xi1>, vector<256x2048xf32>
    %reduce_min3A_204 = arith.constant dense<0x7F800000> : vector<256xf32>
    %reduce_min3A_205 = vector.multi_reduction <minimumf>, %select_n3A_203, %reduce_min3A_204 [1] : vector<256x2048xf32> to vector<256xf32>
    %broadcast_in_dim3A_206 = vector.shape_cast %reduce_min3A_205 : vector<256xf32> to vector<256x1xf32>
    %jit3A_207 = arith.constant 1.000000e+30 : f32
    %broadcast_in_dim3A_208 = vector.broadcast %jit3A_207 : f32 to vector<256x2048xf32>
    %select_n3A_209 = arith.select %eq3A_200, %broadcast_in_dim3A_208, %select_n3A_195 : vector<256x2048xi1>, vector<256x2048xf32>
    %reduce_min3A_210 = arith.constant dense<0x7F800000> : vector<256xf32>
    %reduce_min3A_211 = vector.multi_reduction <minimumf>, %select_n3A_209, %reduce_min3A_210 [1] : vector<256x2048xf32> to vector<256xf32>
    %broadcast_in_dim3A_212 = vector.shape_cast %reduce_min3A_211 : vector<256xf32> to vector<256x1xf32>
    %eq3A_213 = vector.broadcast %broadcast_in_dim3A_212 : vector<256x1xf32> to vector<256x2048xf32>
    %eq3A_214 = arith.cmpf oeq, %select_n3A_209, %eq3A_213 : vector<256x2048xf32>
    %jit3A_215 = arith.constant 2.048000e+03 : f32
    %broadcast_in_dim3A_216 = vector.broadcast %jit3A_215 : f32 to vector<256x2048xf32>
    %select_n3A_217 = arith.select %eq3A_214, %convert_element_type3A, %broadcast_in_dim3A_216 : vector<256x2048xi1>, vector<256x2048xf32>
    %reduce_min3A_218 = arith.constant dense<0x7F800000> : vector<256xf32>
    %reduce_min3A_219 = vector.multi_reduction <minimumf>, %select_n3A_217, %reduce_min3A_218 [1] : vector<256x2048xf32> to vector<256xf32>
    %broadcast_in_dim3A_220 = vector.shape_cast %reduce_min3A_219 : vector<256xf32> to vector<256x1xf32>
    %jit3A_221 = arith.constant 1.000000e+30 : f32
    %broadcast_in_dim3A_222 = vector.broadcast %jit3A_221 : f32 to vector<256x2048xf32>
    %select_n3A_223 = arith.select %eq3A_214, %broadcast_in_dim3A_222, %select_n3A_209 : vector<256x2048xi1>, vector<256x2048xf32>
    %reduce_min3A_224 = arith.constant dense<0x7F800000> : vector<256xf32>
    %reduce_min3A_225 = vector.multi_reduction <minimumf>, %select_n3A_223, %reduce_min3A_224 [1] : vector<256x2048xf32> to vector<256xf32>
    %broadcast_in_dim3A_226 = vector.shape_cast %reduce_min3A_225 : vector<256xf32> to vector<256x1xf32>
    %eq3A_227 = vector.broadcast %broadcast_in_dim3A_226 : vector<256x1xf32> to vector<256x2048xf32>
    %eq3A_228 = arith.cmpf oeq, %select_n3A_223, %eq3A_227 : vector<256x2048xf32>
    %jit3A_229 = arith.constant 2.048000e+03 : f32
    %broadcast_in_dim3A_230 = vector.broadcast %jit3A_229 : f32 to vector<256x2048xf32>
    %select_n3A_231 = arith.select %eq3A_228, %convert_element_type3A, %broadcast_in_dim3A_230 : vector<256x2048xi1>, vector<256x2048xf32>
    %reduce_min3A_232 = arith.constant dense<0x7F800000> : vector<256xf32>
    %reduce_min3A_233 = vector.multi_reduction <minimumf>, %select_n3A_231, %reduce_min3A_232 [1] : vector<256x2048xf32> to vector<256xf32>
    %broadcast_in_dim3A_234 = vector.shape_cast %reduce_min3A_233 : vector<256xf32> to vector<256x1xf32>
    %jit3A_235 = arith.constant 1.000000e+30 : f32
    %broadcast_in_dim3A_236 = vector.broadcast %jit3A_235 : f32 to vector<256x2048xf32>
    %select_n3A_237 = arith.select %eq3A_228, %broadcast_in_dim3A_236, %select_n3A_223 : vector<256x2048xi1>, vector<256x2048xf32>
    %reduce_min3A_238 = arith.constant dense<0x7F800000> : vector<256xf32>
    %reduce_min3A_239 = vector.multi_reduction <minimumf>, %select_n3A_237, %reduce_min3A_238 [1] : vector<256x2048xf32> to vector<256xf32>
    %broadcast_in_dim3A_240 = vector.shape_cast %reduce_min3A_239 : vector<256xf32> to vector<256x1xf32>
    %eq3A_241 = vector.broadcast %broadcast_in_dim3A_240 : vector<256x1xf32> to vector<256x2048xf32>
    %eq3A_242 = arith.cmpf oeq, %select_n3A_237, %eq3A_241 : vector<256x2048xf32>
    %jit3A_243 = arith.constant 2.048000e+03 : f32
    %broadcast_in_dim3A_244 = vector.broadcast %jit3A_243 : f32 to vector<256x2048xf32>
    %select_n3A_245 = arith.select %eq3A_242, %convert_element_type3A, %broadcast_in_dim3A_244 : vector<256x2048xi1>, vector<256x2048xf32>
    %reduce_min3A_246 = arith.constant dense<0x7F800000> : vector<256xf32>
    %reduce_min3A_247 = vector.multi_reduction <minimumf>, %select_n3A_245, %reduce_min3A_246 [1] : vector<256x2048xf32> to vector<256xf32>
    %broadcast_in_dim3A_248 = vector.shape_cast %reduce_min3A_247 : vector<256xf32> to vector<256x1xf32>
    %jit3A_249 = arith.constant 1.000000e+30 : f32
    %broadcast_in_dim3A_250 = vector.broadcast %jit3A_249 : f32 to vector<256x2048xf32>
    %select_n3A_251 = arith.select %eq3A_242, %broadcast_in_dim3A_250, %select_n3A_237 : vector<256x2048xi1>, vector<256x2048xf32>
    %concatenate3A = tpu.concatenate %broadcast_in_dim3A_38, %broadcast_in_dim3A_52, %broadcast_in_dim3A_66, %broadcast_in_dim3A_80, %broadcast_in_dim3A_94, %broadcast_in_dim3A_108, %broadcast_in_dim3A_122, %broadcast_in_dim3A_136, %broadcast_in_dim3A_150, %broadcast_in_dim3A_164, %broadcast_in_dim3A_178, %broadcast_in_dim3A_192, %broadcast_in_dim3A_206, %broadcast_in_dim3A_220, %broadcast_in_dim3A_234, %broadcast_in_dim3A_248 in 1 : vector<256x1xf32>, vector<256x1xf32>, vector<256x1xf32>, vector<256x1xf32>, vector<256x1xf32>, vector<256x1xf32>, vector<256x1xf32>, vector<256x1xf32>, vector<256x1xf32>, vector<256x1xf32>, vector<256x1xf32>, vector<256x1xf32>, vector<256x1xf32>, vector<256x1xf32>, vector<256x1xf32>, vector<256x1xf32> -> vector<256x16xf32>
    %convert_element_type3A_252 = arith.fptosi %concatenate3A : vector<256x16xf32> to vector<256x16xi32>
    %eq3A_253 = vector.broadcast %add3A_26 : vector<256x1xi32> to vector<256x2048xi32>
    %eq3A_254 = arith.cmpi eq, %iota3A, %eq3A_253 : vector<256x2048xi32>
    %eq3A_255 = arith.constant 1.000000e+30 : f32
    %eq3A_256 = vector.broadcast %eq3A_255 : f32 to vector<256x2048xf32>
    %eq3A_257 = arith.cmpf oeq, %select_n3A_251, %eq3A_256 : vector<256x2048xf32>
    %jit3A_258 = arith.constant 1.000000e+00 : f32
    %jit3A_259 = arith.constant 0.000000e+00 : f32
    %broadcast_in_dim3A_260 = vector.broadcast %jit3A_258 : f32 to vector<256x2048xf32>
    %broadcast_in_dim3A_261 = vector.broadcast %jit3A_259 : f32 to vector<256x2048xf32>
    %select_n3A_262 = arith.select %eq3A_257, %broadcast_in_dim3A_260, %broadcast_in_dim3A_261 : vector<256x2048xi1>, vector<256x2048xf32>
    %jit3A_263 = arith.constant 0.000000e+00 : f32
    %broadcast_in_dim3A_264 = vector.broadcast %jit3A_263 : f32 to vector<256x2048xf32>
    %select_n3A_265 = arith.select %eq3A_254, %broadcast_in_dim3A_264, %select_n3A_262 : vector<256x2048xi1>, vector<256x2048xf32>
    %convert_element_type3A_266 = arith.truncf %select_n3A_265 : vector<256x2048xf32> to vector<256x2048xbf16>
    %swap3A = arith.constant 0 : index
    %swap3A_267 = arith.constant 0 : index
    %swap3A_268 = arith.constant 0 : index
    %swap3A_269 = vector.load %arg5[%swap3A, %swap3A_267, %swap3A_268] : memref<1x256x2048xbf16, #tpu.memory_space<vmem>>, vector<1x256x2048xbf16>
    %swap3A_270 = vector.shape_cast %swap3A_269 : vector<1x256x2048xbf16> to vector<256x2048xbf16>
    %swap3A_271 = vector.shape_cast %convert_element_type3A_266 : vector<256x2048xbf16> to vector<1x256x2048xbf16>
    tpu.vector_store %arg5[%swap3A, %swap3A_267, %swap3A_268], %swap3A_271 {strides = array<i32>} : memref<1x256x2048xbf16, #tpu.memory_space<vmem>>, vector<1x256x2048xbf16>,
    %slice3A = vector.extract_strided_slice %convert_element_type3A_252 {offsets = [0, 0], sizes = [256, 15], strides = [1, 1]} : vector<256x16xi32> to vector<256x15xi32>
    %concatenate3A_272 = tpu.concatenate %add3A_26, %slice3A in 1 : vector<256x1xi32>, vector<256x15xi32> -> vector<256x16xi32>
    %swap3A_273 = arith.constant 0 : index
    %swap3A_274 = arith.constant 0 : index
    %swap3A_275 = arith.constant 0 : index
    %swap3A_276 = vector.load %arg6[%swap3A_273, %swap3A_274, %swap3A_275] : memref<1x256x16xi32, #tpu.memory_space<vmem>>, vector<1x256x16xi32>
    %swap3A_277 = vector.shape_cast %swap3A_276 : vector<1x256x16xi32> to vector<256x16xi32>
    %swap3A_278 = vector.shape_cast %concatenate3A_272 : vector<256x16xi32> to vector<1x256x16xi32>
    tpu.vector_store %arg6[%swap3A_273, %swap3A_274, %swap3A_275], %swap3A_278 {strides = array<i32>} : memref<1x256x16xi32, #tpu.memory_space<vmem>>, vector<1x256x16xi32>,
    return
  }
  func.func @transform_0(%arg0: i32, %arg1: i32) -> (i32, i32, i32) {
    %c0_i32 = arith.constant 0 : i32
    %c0_i32_0 = arith.constant 0 : i32
    return %arg0, %arg1, %c0_i32 : i32, i32, i32
  }
  func.func @transform_1(%arg0: i32, %arg1: i32) -> (i32, i32, i32) {
    %c0_i32 = arith.constant 0 : i32
    %c0_i32_0 = arith.constant 0 : i32
    %c0_i32_1 = arith.constant 0 : i32
    return %arg0, %c0_i32, %c0_i32_0 : i32, i32, i32
  }
  func.func @transform_2(%arg0: i32, %arg1: i32) -> (i32, i32) {
    %c0_i32 = arith.constant 0 : i32
    %c0_i32_0 = arith.constant 0 : i32
    %c0_i32_1 = arith.constant 0 : i32
    return %c0_i32, %c0_i32_0 : i32, i32
  }
  func.func @transform_3(%arg0: i32, %arg1: i32) -> (i32, i32, i32) {
    %c0_i32 = arith.constant 0 : i32
    %c0_i32_0 = arith.constant 0 : i32
    return %arg0, %arg1, %c0_i32 : i32, i32, i32
  }
  func.func @transform_4(%arg0: i32, %arg1: i32) -> (i32, i32, i32) {
    %c0_i32 = arith.constant 0 : i32
    %c0_i32_0 = arith.constant 0 : i32
    return %arg0, %arg1, %c0_i32 : i32, i32, i32
  }
}

module attributes {stable_mosaic.version = 14 : i64} {
  func.func @_tab_body(%arg0: i32, %arg1: i32, %arg2: memref<1x128x512xf32, #tpu.memory_space<vmem>>, %arg3: memref<1x512x16xf32, #tpu.memory_space<vmem>>, %arg4: memref<128x64xf32, #tpu.memory_space<vmem>>, %arg5: memref<1x64xf32, #tpu.memory_space<vmem>>, %arg6: memref<16x64xf32, #tpu.memory_space<vmem>>, %arg7: memref<1x512x128xf32, #tpu.memory_space<vmem>>) attributes {dimension_semantics = [#tpu.dimension_semantics<arbitrary>, #tpu.dimension_semantics<arbitrary>], iteration_bounds = array<i64: 4, 4>, scalar_prefetch = 0 : i64, scratch_operands = 0 : i64, tpu.core_type = #tpu.core_type<tc>, window_params = [{transform_indices = @transform_0, window_bounds = array<i64: 1, 128, 512>}, {transform_indices = @transform_1, window_bounds = array<i64: 1, 512, 16>}, {pipeline_mode = #tpu.pipeline_mode<synchronous>, transform_indices = @transform_2, window_bounds = array<i64: 128, 64>}, {pipeline_mode = #tpu.pipeline_mode<synchronous>, transform_indices = @transform_3, window_bounds = array<i64: 1, 64>}, {pipeline_mode = #tpu.pipeline_mode<synchronous>, transform_indices = @transform_4, window_bounds = array<i64: 16, 64>}, {transform_indices = @transform_5, window_bounds = array<i64: 1, 512, 128>}]} {
    %get3A = arith.constant 0 : index
    %get3A_0 = arith.constant 0 : index
    %get3A_1 = arith.constant 0 : index
    %get3A_2 = vector.load %arg2[%get3A, %get3A_0, %get3A_1] : memref<1x128x512xf32, #tpu.memory_space<vmem>>, vector<1x128x512xf32>
    %get3A_3 = vector.shape_cast %get3A_2 : vector<1x128x512xf32> to vector<128x512xf32>
    %transpose3A = tpu.transpose %get3A_3, [1, 0] : vector<128x512xf32> -> vector<512x128xf32>
    %get3A_4 = arith.constant 0 : index
    %get3A_5 = arith.constant 0 : index
    %get3A_6 = vector.load %arg4[%get3A_4, %get3A_5] : memref<128x64xf32, #tpu.memory_space<vmem>>, vector<128x64xf32>
    %dot_general3A = arith.constant dense<0.000000e+00> : vector<512x64xf32>
    %dot_general3A_7 = tpu.matmul %transpose3A, %get3A_6, %dot_general3A {dimension_numbers = #tpu.dot_dimension_numbers<[1], [0], [0], [1], [0, 0, 1, 1], [], []>, transpose_lhs_hint = false} : vector<512x128xf32>, vector<128x64xf32>, vector<512x64xf32> -> vector<512x64xf32>
    %get3A_8 = arith.constant 0 : index
    %get3A_9 = arith.constant 0 : index
    %get3A_10 = vector.load %arg5[%get3A_8, %get3A_9] : memref<1x64xf32, #tpu.memory_space<vmem>>, vector<1x64xf32>
    %add3A = vector.broadcast %get3A_10 : vector<1x64xf32> to vector<512x64xf32>
    %add3A_11 = arith.addf %dot_general3A_7, %add3A : vector<512x64xf32>
    %get3A_12 = arith.constant 0 : index
    %get3A_13 = arith.constant 0 : index
    %get3A_14 = arith.constant 0 : index
    %get3A_15 = vector.load %arg3[%get3A_12, %get3A_13, %get3A_14] : memref<1x512x16xf32, #tpu.memory_space<vmem>>, vector<1x512x16xf32>
    %get3A_16 = vector.shape_cast %get3A_15 : vector<1x512x16xf32> to vector<512x16xf32>
    %get3A_17 = arith.constant 0 : index
    %get3A_18 = arith.constant 0 : index
    %get3A_19 = vector.load %arg6[%get3A_17, %get3A_18] : memref<16x64xf32, #tpu.memory_space<vmem>>, vector<16x64xf32>
    %dot_general3A_20 = arith.constant dense<0.000000e+00> : vector<512x64xf32>
    %dot_general3A_21 = tpu.matmul %get3A_16, %get3A_19, %dot_general3A_20 {dimension_numbers = #tpu.dot_dimension_numbers<[1], [0], [0], [1], [0, 0, 1, 1], [], []>, transpose_lhs_hint = false} : vector<512x16xf32>, vector<16x64xf32>, vector<512x64xf32> -> vector<512x64xf32>
    %concatenate3A = tpu.concatenate %add3A_11, %dot_general3A_21 in 1 : vector<512x64xf32>, vector<512x64xf32> -> vector<512x128xf32>
    %swap3A = arith.constant 0 : index
    %swap3A_22 = arith.constant 0 : index
    %swap3A_23 = arith.constant 0 : index
    %swap3A_24 = vector.load %arg7[%swap3A, %swap3A_22, %swap3A_23] : memref<1x512x128xf32, #tpu.memory_space<vmem>>, vector<1x512x128xf32>
    %swap3A_25 = vector.shape_cast %swap3A_24 : vector<1x512x128xf32> to vector<512x128xf32>
    %swap3A_26 = vector.shape_cast %concatenate3A : vector<512x128xf32> to vector<1x512x128xf32>
    tpu.vector_store %arg7[%swap3A, %swap3A_22, %swap3A_23], %swap3A_26 {strides = array<i32>} : memref<1x512x128xf32, #tpu.memory_space<vmem>>, vector<1x512x128xf32>,
    return
  }
  func.func @transform_0(%arg0: i32, %arg1: i32) -> (i32, i32, i32) {
    %c0_i32 = arith.constant 0 : i32
    %c0_i32_0 = arith.constant 0 : i32
    return %arg0, %c0_i32, %arg1 : i32, i32, i32
  }
  func.func @transform_1(%arg0: i32, %arg1: i32) -> (i32, i32, i32) {
    %c0_i32 = arith.constant 0 : i32
    %c0_i32_0 = arith.constant 0 : i32
    return %arg0, %arg1, %c0_i32 : i32, i32, i32
  }
  func.func @transform_2(%arg0: i32, %arg1: i32) -> (i32, i32) {
    %c0_i32 = arith.constant 0 : i32
    %c0_i32_0 = arith.constant 0 : i32
    %c0_i32_1 = arith.constant 0 : i32
    return %c0_i32, %c0_i32_0 : i32, i32
  }
  func.func @transform_3(%arg0: i32, %arg1: i32) -> (i32, i32) {
    %c0_i32 = arith.constant 0 : i32
    %c0_i32_0 = arith.constant 0 : i32
    %c0_i32_1 = arith.constant 0 : i32
    return %c0_i32, %c0_i32_0 : i32, i32
  }
  func.func @transform_4(%arg0: i32, %arg1: i32) -> (i32, i32) {
    %c0_i32 = arith.constant 0 : i32
    %c0_i32_0 = arith.constant 0 : i32
    %c0_i32_1 = arith.constant 0 : i32
    return %c0_i32, %c0_i32_0 : i32, i32
  }
  func.func @transform_5(%arg0: i32, %arg1: i32) -> (i32, i32, i32) {
    %c0_i32 = arith.constant 0 : i32
    %c0_i32_0 = arith.constant 0 : i32
    return %arg0, %arg1, %c0_i32 : i32, i32, i32
  }
}

module attributes {stable_mosaic.version = 14 : i64} {
  func.func @_mlp1_body(%arg0: i32, %arg1: memref<1024x8xf32, #tpu.memory_space<vmem>>, %arg2: memref<8x64xf32, #tpu.memory_space<vmem>>, %arg3: memref<1x64xf32, #tpu.memory_space<vmem>>, %arg4: memref<64x128xf32, #tpu.memory_space<vmem>>, %arg5: memref<1x128xf32, #tpu.memory_space<vmem>>, %arg6: memref<1024x128xf32, #tpu.memory_space<vmem>>) attributes {dimension_semantics = [#tpu.dimension_semantics<arbitrary>], iteration_bounds = array<i64: 8>, scalar_prefetch = 0 : i64, scratch_operands = 0 : i64, tpu.core_type = #tpu.core_type<tc>, window_params = [{transform_indices = @transform_0, window_bounds = array<i64: 1024, 8>}, {pipeline_mode = #tpu.pipeline_mode<synchronous>, transform_indices = @transform_1, window_bounds = array<i64: 8, 64>}, {pipeline_mode = #tpu.pipeline_mode<synchronous>, transform_indices = @transform_2, window_bounds = array<i64: 1, 64>}, {pipeline_mode = #tpu.pipeline_mode<synchronous>, transform_indices = @transform_3, window_bounds = array<i64: 64, 128>}, {pipeline_mode = #tpu.pipeline_mode<synchronous>, transform_indices = @transform_4, window_bounds = array<i64: 1, 128>}, {transform_indices = @transform_5, window_bounds = array<i64: 1024, 128>}]} {
    %get3A = arith.constant 0 : index
    %get3A_0 = arith.constant 0 : index
    %get3A_1 = vector.load %arg1[%get3A, %get3A_0] : memref<1024x8xf32, #tpu.memory_space<vmem>>, vector<1024x8xf32>
    %get3A_2 = arith.constant 0 : index
    %get3A_3 = arith.constant 0 : index
    %get3A_4 = vector.load %arg2[%get3A_2, %get3A_3] : memref<8x64xf32, #tpu.memory_space<vmem>>, vector<8x64xf32>
    %dot_general3A = arith.constant dense<0.000000e+00> : vector<1024x64xf32>
    %dot_general3A_5 = tpu.matmul %get3A_1, %get3A_4, %dot_general3A {dimension_numbers = #tpu.dot_dimension_numbers<[1], [0], [0], [1], [0, 0, 1, 1], [], []>, transpose_lhs_hint = false} : vector<1024x8xf32>, vector<8x64xf32>, vector<1024x64xf32> -> vector<1024x64xf32>
    %get3A_6 = arith.constant 0 : index
    %get3A_7 = arith.constant 0 : index
    %get3A_8 = vector.load %arg3[%get3A_6, %get3A_7] : memref<1x64xf32, #tpu.memory_space<vmem>>, vector<1x64xf32>
    %add3A = vector.broadcast %get3A_8 : vector<1x64xf32> to vector<1024x64xf32>
    %add3A_9 = arith.addf %dot_general3A_5, %add3A : vector<1024x64xf32>
    %max3A = arith.constant 0.000000e+00 : f32
    %max3A_10 = vector.broadcast %max3A : f32 to vector<1024x64xf32>
    %max3A_11 = arith.maximumf %add3A_9, %max3A_10 : vector<1024x64xf32>
    %get3A_12 = arith.constant 0 : index
    %get3A_13 = arith.constant 0 : index
    %get3A_14 = vector.load %arg4[%get3A_12, %get3A_13] : memref<64x128xf32, #tpu.memory_space<vmem>>, vector<64x128xf32>
    %dot_general3A_15 = arith.constant dense<0.000000e+00> : vector<1024x128xf32>
    %dot_general3A_16 = tpu.matmul %max3A_11, %get3A_14, %dot_general3A_15 {dimension_numbers = #tpu.dot_dimension_numbers<[1], [0], [0], [1], [0, 0, 1, 1], [], []>, transpose_lhs_hint = false} : vector<1024x64xf32>, vector<64x128xf32>, vector<1024x128xf32> -> vector<1024x128xf32>
    %get3A_17 = arith.constant 0 : index
    %get3A_18 = arith.constant 0 : index
    %get3A_19 = vector.load %arg5[%get3A_17, %get3A_18] : memref<1x128xf32, #tpu.memory_space<vmem>>, vector<1x128xf32>
    %add3A_20 = vector.broadcast %get3A_19 : vector<1x128xf32> to vector<1024x128xf32>
    %add3A_21 = arith.addf %dot_general3A_16, %add3A_20 : vector<1024x128xf32>
    %swap3A = arith.constant 0 : index
    %swap3A_22 = arith.constant 0 : index
    %swap3A_23 = vector.load %arg6[%swap3A, %swap3A_22] : memref<1024x128xf32, #tpu.memory_space<vmem>>, vector<1024x128xf32>
    tpu.vector_store %arg6[%swap3A, %swap3A_22], %add3A_21 {strides = array<i32>} : memref<1024x128xf32, #tpu.memory_space<vmem>>, vector<1024x128xf32>,
    return
  }
  func.func @transform_0(%arg0: i32) -> (i32, i32) {
    %c0_i32 = arith.constant 0 : i32
    %c0_i32_0 = arith.constant 0 : i32
    return %arg0, %c0_i32 : i32, i32
  }
  func.func @transform_1(%arg0: i32) -> (i32, i32) {
    %c0_i32 = arith.constant 0 : i32
    %c0_i32_0 = arith.constant 0 : i32
    %c0_i32_1 = arith.constant 0 : i32
    return %c0_i32, %c0_i32_0 : i32, i32
  }
  func.func @transform_2(%arg0: i32) -> (i32, i32) {
    %c0_i32 = arith.constant 0 : i32
    %c0_i32_0 = arith.constant 0 : i32
    %c0_i32_1 = arith.constant 0 : i32
    return %c0_i32, %c0_i32_0 : i32, i32
  }
  func.func @transform_3(%arg0: i32) -> (i32, i32) {
    %c0_i32 = arith.constant 0 : i32
    %c0_i32_0 = arith.constant 0 : i32
    %c0_i32_1 = arith.constant 0 : i32
    return %c0_i32, %c0_i32_0 : i32, i32
  }
  func.func @transform_4(%arg0: i32) -> (i32, i32) {
    %c0_i32 = arith.constant 0 : i32
    %c0_i32_0 = arith.constant 0 : i32
    %c0_i32_1 = arith.constant 0 : i32
    return %c0_i32, %c0_i32_0 : i32, i32
  }
  func.func @transform_5(%arg0: i32) -> (i32, i32) {
    %c0_i32 = arith.constant 0 : i32
    %c0_i32_0 = arith.constant 0 : i32
    return %arg0, %c0_i32 : i32, i32
  }
}

module attributes {stable_mosaic.version = 14 : i64} {
  func.func @_sage_body(%arg0: i32, %arg1: i32, %arg2: memref<1x256x2048xbf16, #tpu.memory_space<vmem>>, %arg3: memref<1x2048x128xf32, #tpu.memory_space<vmem>>, %arg4: memref<1x256x128xf32, #tpu.memory_space<vmem>>, %arg5: memref<128x128xf32, #tpu.memory_space<vmem>>, %arg6: memref<128x128xf32, #tpu.memory_space<vmem>>, %arg7: memref<1x128xf32, #tpu.memory_space<vmem>>, %arg8: memref<1x128xf32, #tpu.memory_space<vmem>>, %arg9: memref<1x128xf32, #tpu.memory_space<vmem>>, %arg10: memref<1x256x128xf32, #tpu.memory_space<vmem>>) attributes {dimension_semantics = [#tpu.dimension_semantics<arbitrary>, #tpu.dimension_semantics<arbitrary>], iteration_bounds = array<i64: 4, 8>, scalar_prefetch = 0 : i64, scratch_operands = 0 : i64, tpu.core_type = #tpu.core_type<tc>, window_params = [{transform_indices = @transform_0, window_bounds = array<i64: 1, 256, 2048>}, {transform_indices = @transform_1, window_bounds = array<i64: 1, 2048, 128>}, {transform_indices = @transform_2, window_bounds = array<i64: 1, 256, 128>}, {pipeline_mode = #tpu.pipeline_mode<synchronous>, transform_indices = @transform_3, window_bounds = array<i64: 128, 128>}, {pipeline_mode = #tpu.pipeline_mode<synchronous>, transform_indices = @transform_4, window_bounds = array<i64: 128, 128>}, {pipeline_mode = #tpu.pipeline_mode<synchronous>, transform_indices = @transform_5, window_bounds = array<i64: 1, 128>}, {pipeline_mode = #tpu.pipeline_mode<synchronous>, transform_indices = @transform_6, window_bounds = array<i64: 1, 128>}, {pipeline_mode = #tpu.pipeline_mode<synchronous>, transform_indices = @transform_7, window_bounds = array<i64: 1, 128>}, {transform_indices = @transform_8, window_bounds = array<i64: 1, 256, 128>}]} {
    %get3A = arith.constant 0 : index
    %get3A_0 = arith.constant 0 : index
    %get3A_1 = arith.constant 0 : index
    %get3A_2 = vector.load %arg2[%get3A, %get3A_0, %get3A_1] : memref<1x256x2048xbf16, #tpu.memory_space<vmem>>, vector<1x256x2048xbf16>
    %get3A_3 = vector.shape_cast %get3A_2 : vector<1x256x2048xbf16> to vector<256x2048xbf16>
    %convert_element_type3A = arith.extf %get3A_3 : vector<256x2048xbf16> to vector<256x2048xf32>
    %get3A_4 = arith.constant 0 : index
    %get3A_5 = arith.constant 0 : index
    %get3A_6 = arith.constant 0 : index
    %get3A_7 = vector.load %arg3[%get3A_4, %get3A_5, %get3A_6] : memref<1x2048x128xf32, #tpu.memory_space<vmem>>, vector<1x2048x128xf32>
    %get3A_8 = vector.shape_cast %get3A_7 : vector<1x2048x128xf32> to vector<2048x128xf32>
    %dot_general3A = arith.constant dense<0.000000e+00> : vector<256x128xf32>
    %dot_general3A_9 = tpu.matmul %convert_element_type3A, %get3A_8, %dot_general3A {dimension_numbers = #tpu.dot_dimension_numbers<[1], [0], [0], [1], [0, 0, 1, 1], [], []>, transpose_lhs_hint = false} : vector<256x2048xf32>, vector<2048x128xf32>, vector<256x128xf32> -> vector<256x128xf32>
    %mul3A = arith.constant 6.250000e-02 : f32
    %mul3A_10 = vector.broadcast %mul3A : f32 to vector<256x128xf32>
    %mul3A_11 = arith.mulf %dot_general3A_9, %mul3A_10 : vector<256x128xf32>
    %get3A_12 = arith.constant 0 : index
    %get3A_13 = arith.constant 0 : index
    %get3A_14 = arith.constant 0 : index
    %get3A_15 = vector.load %arg4[%get3A_12, %get3A_13, %get3A_14] : memref<1x256x128xf32, #tpu.memory_space<vmem>>, vector<1x256x128xf32>
    %get3A_16 = vector.shape_cast %get3A_15 : vector<1x256x128xf32> to vector<256x128xf32>
    %get3A_17 = arith.constant 0 : index
    %get3A_18 = arith.constant 0 : index
    %get3A_19 = vector.load %arg5[%get3A_17, %get3A_18] : memref<128x128xf32, #tpu.memory_space<vmem>>, vector<128x128xf32>
    %dot_general3A_20 = arith.constant dense<0.000000e+00> : vector<256x128xf32>
    %dot_general3A_21 = tpu.matmul %mul3A_11, %get3A_19, %dot_general3A_20 {dimension_numbers = #tpu.dot_dimension_numbers<[1], [0], [0], [1], [0, 0, 1, 1], [], []>, transpose_lhs_hint = false} : vector<256x128xf32>, vector<128x128xf32>, vector<256x128xf32> -> vector<256x128xf32>
    %get3A_22 = arith.constant 0 : index
    %get3A_23 = arith.constant 0 : index
    %get3A_24 = vector.load %arg7[%get3A_22, %get3A_23] : memref<1x128xf32, #tpu.memory_space<vmem>>, vector<1x128xf32>
    %add3A = vector.broadcast %get3A_24 : vector<1x128xf32> to vector<256x128xf32>
    %add3A_25 = arith.addf %dot_general3A_21, %add3A : vector<256x128xf32>
    %get3A_26 = arith.constant 0 : index
    %get3A_27 = arith.constant 0 : index
    %get3A_28 = vector.load %arg6[%get3A_26, %get3A_27] : memref<128x128xf32, #tpu.memory_space<vmem>>, vector<128x128xf32>
    %dot_general3A_29 = arith.constant dense<0.000000e+00> : vector<256x128xf32>
    %dot_general3A_30 = tpu.matmul %get3A_16, %get3A_28, %dot_general3A_29 {dimension_numbers = #tpu.dot_dimension_numbers<[1], [0], [0], [1], [0, 0, 1, 1], [], []>, transpose_lhs_hint = false} : vector<256x128xf32>, vector<128x128xf32>, vector<256x128xf32> -> vector<256x128xf32>
    %add3A_31 = arith.addf %add3A_25, %dot_general3A_30 : vector<256x128xf32>
    %get3A_32 = arith.constant 0 : index
    %get3A_33 = arith.constant 0 : index
    %get3A_34 = vector.load %arg8[%get3A_32, %get3A_33] : memref<1x128xf32, #tpu.memory_space<vmem>>, vector<1x128xf32>
    %mul3A_35 = vector.broadcast %get3A_34 : vector<1x128xf32> to vector<256x128xf32>
    %mul3A_36 = arith.mulf %add3A_31, %mul3A_35 : vector<256x128xf32>
    %get3A_37 = arith.constant 0 : index
    %get3A_38 = arith.constant 0 : index
    %get3A_39 = vector.load %arg9[%get3A_37, %get3A_38] : memref<1x128xf32, #tpu.memory_space<vmem>>, vector<1x128xf32>
    %add3A_40 = vector.broadcast %get3A_39 : vector<1x128xf32> to vector<256x128xf32>
    %add3A_41 = arith.addf %mul3A_36, %add3A_40 : vector<256x128xf32>
    %max3A = arith.constant 0.000000e+00 : f32
    %max3A_42 = vector.broadcast %max3A : f32 to vector<256x128xf32>
    %max3A_43 = arith.maximumf %add3A_41, %max3A_42 : vector<256x128xf32>
    %swap3A = arith.constant 0 : index
    %swap3A_44 = arith.constant 0 : index
    %swap3A_45 = arith.constant 0 : index
    %swap3A_46 = vector.load %arg10[%swap3A, %swap3A_44, %swap3A_45] : memref<1x256x128xf32, #tpu.memory_space<vmem>>, vector<1x256x128xf32>
    %swap3A_47 = vector.shape_cast %swap3A_46 : vector<1x256x128xf32> to vector<256x128xf32>
    %swap3A_48 = vector.shape_cast %max3A_43 : vector<256x128xf32> to vector<1x256x128xf32>
    tpu.vector_store %arg10[%swap3A, %swap3A_44, %swap3A_45], %swap3A_48 {strides = array<i32>} : memref<1x256x128xf32, #tpu.memory_space<vmem>>, vector<1x256x128xf32>,
    return
  }
  func.func @transform_0(%arg0: i32, %arg1: i32) -> (i32, i32, i32) {
    %c0_i32 = arith.constant 0 : i32
    %c0_i32_0 = arith.constant 0 : i32
    return %arg0, %arg1, %c0_i32 : i32, i32, i32
  }
  func.func @transform_1(%arg0: i32, %arg1: i32) -> (i32, i32, i32) {
    %c0_i32 = arith.constant 0 : i32
    %c0_i32_0 = arith.constant 0 : i32
    %c0_i32_1 = arith.constant 0 : i32
    return %arg0, %c0_i32, %c0_i32_0 : i32, i32, i32
  }
  func.func @transform_2(%arg0: i32, %arg1: i32) -> (i32, i32, i32) {
    %c0_i32 = arith.constant 0 : i32
    %c0_i32_0 = arith.constant 0 : i32
    return %arg0, %arg1, %c0_i32 : i32, i32, i32
  }
  func.func @transform_3(%arg0: i32, %arg1: i32) -> (i32, i32) {
    %c0_i32 = arith.constant 0 : i32
    %c0_i32_0 = arith.constant 0 : i32
    %c0_i32_1 = arith.constant 0 : i32
    return %c0_i32, %c0_i32_0 : i32, i32
  }
  func.func @transform_4(%arg0: i32, %arg1: i32) -> (i32, i32) {
    %c0_i32 = arith.constant 0 : i32
    %c0_i32_0 = arith.constant 0 : i32
    %c0_i32_1 = arith.constant 0 : i32
    return %c0_i32, %c0_i32_0 : i32, i32
  }
  func.func @transform_5(%arg0: i32, %arg1: i32) -> (i32, i32) {
    %c0_i32 = arith.constant 0 : i32
    %c0_i32_0 = arith.constant 0 : i32
    %c0_i32_1 = arith.constant 0 : i32
    return %c0_i32, %c0_i32_0 : i32, i32
  }
  func.func @transform_6(%arg0: i32, %arg1: i32) -> (i32, i32) {
    %c0_i32 = arith.constant 0 : i32
    %c0_i32_0 = arith.constant 0 : i32
    %c0_i32_1 = arith.constant 0 : i32
    return %c0_i32, %c0_i32_0 : i32, i32
  }
  func.func @transform_7(%arg0: i32, %arg1: i32) -> (i32, i32) {
    %c0_i32 = arith.constant 0 : i32
    %c0_i32_0 = arith.constant 0 : i32
    %c0_i32_1 = arith.constant 0 : i32
    return %c0_i32, %c0_i32_0 : i32, i32
  }
  func.func @transform_8(%arg0: i32, %arg1: i32) -> (i32, i32, i32) {
    %c0_i32 = arith.constant 0 : i32
    %c0_i32_0 = arith.constant 0 : i32
    return %arg0, %arg1, %c0_i32 : i32, i32, i32
  }
}

module attributes {stable_mosaic.version = 14 : i64} {
  func.func @_sage_body(%arg0: i32, %arg1: i32, %arg2: memref<1x256x2048xbf16, #tpu.memory_space<vmem>>, %arg3: memref<1x2048x128xf32, #tpu.memory_space<vmem>>, %arg4: memref<1x256x128xf32, #tpu.memory_space<vmem>>, %arg5: memref<128x128xf32, #tpu.memory_space<vmem>>, %arg6: memref<128x128xf32, #tpu.memory_space<vmem>>, %arg7: memref<1x128xf32, #tpu.memory_space<vmem>>, %arg8: memref<1x128xf32, #tpu.memory_space<vmem>>, %arg9: memref<1x128xf32, #tpu.memory_space<vmem>>, %arg10: memref<1x256x128xf32, #tpu.memory_space<vmem>>) attributes {dimension_semantics = [#tpu.dimension_semantics<arbitrary>, #tpu.dimension_semantics<arbitrary>], iteration_bounds = array<i64: 4, 8>, scalar_prefetch = 0 : i64, scratch_operands = 0 : i64, tpu.core_type = #tpu.core_type<tc>, window_params = [{transform_indices = @transform_0, window_bounds = array<i64: 1, 256, 2048>}, {transform_indices = @transform_1, window_bounds = array<i64: 1, 2048, 128>}, {transform_indices = @transform_2, window_bounds = array<i64: 1, 256, 128>}, {pipeline_mode = #tpu.pipeline_mode<synchronous>, transform_indices = @transform_3, window_bounds = array<i64: 128, 128>}, {pipeline_mode = #tpu.pipeline_mode<synchronous>, transform_indices = @transform_4, window_bounds = array<i64: 128, 128>}, {pipeline_mode = #tpu.pipeline_mode<synchronous>, transform_indices = @transform_5, window_bounds = array<i64: 1, 128>}, {pipeline_mode = #tpu.pipeline_mode<synchronous>, transform_indices = @transform_6, window_bounds = array<i64: 1, 128>}, {pipeline_mode = #tpu.pipeline_mode<synchronous>, transform_indices = @transform_7, window_bounds = array<i64: 1, 128>}, {transform_indices = @transform_8, window_bounds = array<i64: 1, 256, 128>}]} {
    %get3A = arith.constant 0 : index
    %get3A_0 = arith.constant 0 : index
    %get3A_1 = arith.constant 0 : index
    %get3A_2 = vector.load %arg2[%get3A, %get3A_0, %get3A_1] : memref<1x256x2048xbf16, #tpu.memory_space<vmem>>, vector<1x256x2048xbf16>
    %get3A_3 = vector.shape_cast %get3A_2 : vector<1x256x2048xbf16> to vector<256x2048xbf16>
    %convert_element_type3A = arith.extf %get3A_3 : vector<256x2048xbf16> to vector<256x2048xf32>
    %get3A_4 = arith.constant 0 : index
    %get3A_5 = arith.constant 0 : index
    %get3A_6 = arith.constant 0 : index
    %get3A_7 = vector.load %arg3[%get3A_4, %get3A_5, %get3A_6] : memref<1x2048x128xf32, #tpu.memory_space<vmem>>, vector<1x2048x128xf32>
    %get3A_8 = vector.shape_cast %get3A_7 : vector<1x2048x128xf32> to vector<2048x128xf32>
    %dot_general3A = arith.constant dense<0.000000e+00> : vector<256x128xf32>
    %dot_general3A_9 = tpu.matmul %convert_element_type3A, %get3A_8, %dot_general3A {dimension_numbers = #tpu.dot_dimension_numbers<[1], [0], [0], [1], [0, 0, 1, 1], [], []>, transpose_lhs_hint = false} : vector<256x2048xf32>, vector<2048x128xf32>, vector<256x128xf32> -> vector<256x128xf32>
    %mul3A = arith.constant 6.250000e-02 : f32
    %mul3A_10 = vector.broadcast %mul3A : f32 to vector<256x128xf32>
    %mul3A_11 = arith.mulf %dot_general3A_9, %mul3A_10 : vector<256x128xf32>
    %get3A_12 = arith.constant 0 : index
    %get3A_13 = arith.constant 0 : index
    %get3A_14 = arith.constant 0 : index
    %get3A_15 = vector.load %arg4[%get3A_12, %get3A_13, %get3A_14] : memref<1x256x128xf32, #tpu.memory_space<vmem>>, vector<1x256x128xf32>
    %get3A_16 = vector.shape_cast %get3A_15 : vector<1x256x128xf32> to vector<256x128xf32>
    %get3A_17 = arith.constant 0 : index
    %get3A_18 = arith.constant 0 : index
    %get3A_19 = vector.load %arg5[%get3A_17, %get3A_18] : memref<128x128xf32, #tpu.memory_space<vmem>>, vector<128x128xf32>
    %dot_general3A_20 = arith.constant dense<0.000000e+00> : vector<256x128xf32>
    %dot_general3A_21 = tpu.matmul %mul3A_11, %get3A_19, %dot_general3A_20 {dimension_numbers = #tpu.dot_dimension_numbers<[1], [0], [0], [1], [0, 0, 1, 1], [], []>, transpose_lhs_hint = false} : vector<256x128xf32>, vector<128x128xf32>, vector<256x128xf32> -> vector<256x128xf32>
    %get3A_22 = arith.constant 0 : index
    %get3A_23 = arith.constant 0 : index
    %get3A_24 = vector.load %arg7[%get3A_22, %get3A_23] : memref<1x128xf32, #tpu.memory_space<vmem>>, vector<1x128xf32>
    %add3A = vector.broadcast %get3A_24 : vector<1x128xf32> to vector<256x128xf32>
    %add3A_25 = arith.addf %dot_general3A_21, %add3A : vector<256x128xf32>
    %get3A_26 = arith.constant 0 : index
    %get3A_27 = arith.constant 0 : index
    %get3A_28 = vector.load %arg6[%get3A_26, %get3A_27] : memref<128x128xf32, #tpu.memory_space<vmem>>, vector<128x128xf32>
    %dot_general3A_29 = arith.constant dense<0.000000e+00> : vector<256x128xf32>
    %dot_general3A_30 = tpu.matmul %get3A_16, %get3A_28, %dot_general3A_29 {dimension_numbers = #tpu.dot_dimension_numbers<[1], [0], [0], [1], [0, 0, 1, 1], [], []>, transpose_lhs_hint = false} : vector<256x128xf32>, vector<128x128xf32>, vector<256x128xf32> -> vector<256x128xf32>
    %add3A_31 = arith.addf %add3A_25, %dot_general3A_30 : vector<256x128xf32>
    %get3A_32 = arith.constant 0 : index
    %get3A_33 = arith.constant 0 : index
    %get3A_34 = vector.load %arg8[%get3A_32, %get3A_33] : memref<1x128xf32, #tpu.memory_space<vmem>>, vector<1x128xf32>
    %mul3A_35 = vector.broadcast %get3A_34 : vector<1x128xf32> to vector<256x128xf32>
    %mul3A_36 = arith.mulf %add3A_31, %mul3A_35 : vector<256x128xf32>
    %get3A_37 = arith.constant 0 : index
    %get3A_38 = arith.constant 0 : index
    %get3A_39 = vector.load %arg9[%get3A_37, %get3A_38] : memref<1x128xf32, #tpu.memory_space<vmem>>, vector<1x128xf32>
    %add3A_40 = vector.broadcast %get3A_39 : vector<1x128xf32> to vector<256x128xf32>
    %add3A_41 = arith.addf %mul3A_36, %add3A_40 : vector<256x128xf32>
    %max3A = arith.constant 0.000000e+00 : f32
    %max3A_42 = vector.broadcast %max3A : f32 to vector<256x128xf32>
    %max3A_43 = arith.maximumf %add3A_41, %max3A_42 : vector<256x128xf32>
    %add3A_44 = arith.addf %max3A_43, %get3A_16 : vector<256x128xf32>
    %swap3A = arith.constant 0 : index
    %swap3A_45 = arith.constant 0 : index
    %swap3A_46 = arith.constant 0 : index
    %swap3A_47 = vector.load %arg10[%swap3A, %swap3A_45, %swap3A_46] : memref<1x256x128xf32, #tpu.memory_space<vmem>>, vector<1x256x128xf32>
    %swap3A_48 = vector.shape_cast %swap3A_47 : vector<1x256x128xf32> to vector<256x128xf32>
    %swap3A_49 = vector.shape_cast %add3A_44 : vector<256x128xf32> to vector<1x256x128xf32>
    tpu.vector_store %arg10[%swap3A, %swap3A_45, %swap3A_46], %swap3A_49 {strides = array<i32>} : memref<1x256x128xf32, #tpu.memory_space<vmem>>, vector<1x256x128xf32>,
    return
  }
  func.func @transform_0(%arg0: i32, %arg1: i32) -> (i32, i32, i32) {
    %c0_i32 = arith.constant 0 : i32
    %c0_i32_0 = arith.constant 0 : i32
    return %arg0, %arg1, %c0_i32 : i32, i32, i32
  }
  func.func @transform_1(%arg0: i32, %arg1: i32) -> (i32, i32, i32) {
    %c0_i32 = arith.constant 0 : i32
    %c0_i32_0 = arith.constant 0 : i32
    %c0_i32_1 = arith.constant 0 : i32
    return %arg0, %c0_i32, %c0_i32_0 : i32, i32, i32
  }
  func.func @transform_2(%arg0: i32, %arg1: i32) -> (i32, i32, i32) {
    %c0_i32 = arith.constant 0 : i32
    %c0_i32_0 = arith.constant 0 : i32
    return %arg0, %arg1, %c0_i32 : i32, i32, i32
  }
  func.func @transform_3(%arg0: i32, %arg1: i32) -> (i32, i32) {
    %c0_i32 = arith.constant 0 : i32
    %c0_i32_0 = arith.constant 0 : i32
    %c0_i32_1 = arith.constant 0 : i32
    return %c0_i32, %c0_i32_0 : i32, i32
  }
  func.func @transform_4(%arg0: i32, %arg1: i32) -> (i32, i32) {
    %c0_i32 = arith.constant 0 : i32
    %c0_i32_0 = arith.constant 0 : i32
    %c0_i32_1 = arith.constant 0 : i32
    return %c0_i32, %c0_i32_0 : i32, i32
  }
  func.func @transform_5(%arg0: i32, %arg1: i32) -> (i32, i32) {
    %c0_i32 = arith.constant 0 : i32
    %c0_i32_0 = arith.constant 0 : i32
    %c0_i32_1 = arith.constant 0 : i32
    return %c0_i32, %c0_i32_0 : i32, i32
  }
  func.func @transform_6(%arg0: i32, %arg1: i32) -> (i32, i32) {
    %c0_i32 = arith.constant 0 : i32
    %c0_i32_0 = arith.constant 0 : i32
    %c0_i32_1 = arith.constant 0 : i32
    return %c0_i32, %c0_i32_0 : i32, i32
  }
  func.func @transform_7(%arg0: i32, %arg1: i32) -> (i32, i32) {
    %c0_i32 = arith.constant 0 : i32
    %c0_i32_0 = arith.constant 0 : i32
    %c0_i32_1 = arith.constant 0 : i32
    return %c0_i32, %c0_i32_0 : i32, i32
  }
  func.func @transform_8(%arg0: i32, %arg1: i32) -> (i32, i32, i32) {
    %c0_i32 = arith.constant 0 : i32
    %c0_i32_0 = arith.constant 0 : i32
    return %arg0, %arg1, %c0_i32 : i32, i32, i32
  }
}

module attributes {stable_mosaic.version = 14 : i64} {
  func.func @_fmax_body(%arg0: i32, %arg1: memref<1x2048x128xf32, #tpu.memory_space<vmem>>, %arg2: memref<1x1x128xf32, #tpu.memory_space<vmem>>) attributes {dimension_semantics = [#tpu.dimension_semantics<arbitrary>], iteration_bounds = array<i64: 4>, scalar_prefetch = 0 : i64, scratch_operands = 0 : i64, tpu.core_type = #tpu.core_type<tc>, window_params = [{transform_indices = @transform_0, window_bounds = array<i64: 1, 2048, 128>}, {transform_indices = @transform_1, window_bounds = array<i64: 1, 1, 128>}]} {
    %get3A = arith.constant 0 : index
    %get3A_0 = arith.constant 0 : index
    %get3A_1 = arith.constant 0 : index
    %get3A_2 = vector.load %arg1[%get3A, %get3A_0, %get3A_1] : memref<1x2048x128xf32, #tpu.memory_space<vmem>>, vector<1x2048x128xf32>
    %get3A_3 = vector.shape_cast %get3A_2 : vector<1x2048x128xf32> to vector<2048x128xf32>
    %reduce_max3A = arith.constant dense<0xFF800000> : vector<128xf32>
    %reduce_max3A_4 = vector.multi_reduction <maximumf>, %get3A_3, %reduce_max3A [0] : vector<2048x128xf32> to vector<128xf32>
    %broadcast_in_dim3A = vector.shape_cast %reduce_max3A_4 : vector<128xf32> to vector<1x128xf32>
    %swap3A = arith.constant 0 : index
    %swap3A_5 = arith.constant 0 : index
    %swap3A_6 = arith.constant 0 : index
    %swap3A_7 = vector.load %arg2[%swap3A, %swap3A_5, %swap3A_6] : memref<1x1x128xf32, #tpu.memory_space<vmem>>, vector<1x1x128xf32>
    %swap3A_8 = vector.shape_cast %swap3A_7 : vector<1x1x128xf32> to vector<1x128xf32>
    %swap3A_9 = vector.shape_cast %broadcast_in_dim3A : vector<1x128xf32> to vector<1x1x128xf32>
    tpu.vector_store %arg2[%swap3A, %swap3A_5, %swap3A_6], %swap3A_9 {strides = array<i32>} : memref<1x1x128xf32, #tpu.memory_space<vmem>>, vector<1x1x128xf32>,
    return
  }
  func.func @transform_0(%arg0: i32) -> (i32, i32, i32) {
    %c0_i32 = arith.constant 0 : i32
    %c0_i32_0 = arith.constant 0 : i32
    %c0_i32_1 = arith.constant 0 : i32
    return %arg0, %c0_i32, %c0_i32_0 : i32, i32, i32
  }
  func.func @transform_1(%arg0: i32) -> (i32, i32, i32) {
    %c0_i32 = arith.constant 0 : i32
    %c0_i32_0 = arith.constant 0 : i32
    %c0_i32_1 = arith.constant 0 : i32
    return %arg0, %c0_i32, %c0_i32_0 : i32, i32, i32
  }
}

module attributes {stable_mosaic.version = 14 : i64} {
  func.func @_kqv_body(%arg0: i32, %arg1: i32, %arg2: memref<1x128x512xf32, #tpu.memory_space<vmem>>, %arg3: memref<1x512x128xf32, #tpu.memory_space<vmem>>, %arg4: memref<256x128xf32, #tpu.memory_space<vmem>>, %arg5: memref<1x128xf32, #tpu.memory_space<vmem>>, %arg6: memref<256x128xf32, #tpu.memory_space<vmem>>, %arg7: memref<1x128xf32, #tpu.memory_space<vmem>>, %arg8: memref<128x128xf32, #tpu.memory_space<vmem>>, %arg9: memref<1x128xf32, #tpu.memory_space<vmem>>, %arg10: memref<128x64xf32, #tpu.memory_space<vmem>>, %arg11: memref<1x64xf32, #tpu.memory_space<vmem>>, %arg12: memref<128x64xf32, #tpu.memory_space<vmem>>, %arg13: memref<1x64xf32, #tpu.memory_space<vmem>>, %arg14: memref<1x512x128xf32, #tpu.memory_space<vmem>>, %arg15: memref<1x512x64xf32, #tpu.memory_space<vmem>>, %arg16: memref<1x512x64xf32, #tpu.memory_space<vmem>>) attributes {dimension_semantics = [#tpu.dimension_semantics<arbitrary>, #tpu.dimension_semantics<arbitrary>], iteration_bounds = array<i64: 4, 4>, scalar_prefetch = 0 : i64, scratch_operands = 0 : i64, tpu.core_type = #tpu.core_type<tc>, window_params = [{transform_indices = @transform_0, window_bounds = array<i64: 1, 128, 512>}, {transform_indices = @transform_1, window_bounds = array<i64: 1, 512, 128>}, {pipeline_mode = #tpu.pipeline_mode<synchronous>, transform_indices = @transform_2, window_bounds = array<i64: 256, 128>}, {pipeline_mode = #tpu.pipeline_mode<synchronous>, transform_indices = @transform_3, window_bounds = array<i64: 1, 128>}, {pipeline_mode = #tpu.pipeline_mode<synchronous>, transform_indices = @transform_4, window_bounds = array<i64: 256, 128>}, {pipeline_mode = #tpu.pipeline_mode<synchronous>, transform_indices = @transform_5, window_bounds = array<i64: 1, 128>}, {pipeline_mode = #tpu.pipeline_mode<synchronous>, transform_indices = @transform_6, window_bounds = array<i64: 128, 128>}, {pipeline_mode = #tpu.pipeline_mode<synchronous>, transform_indices = @transform_7, window_bounds = array<i64: 1, 128>}, {pipeline_mode = #tpu.pipeline_mode<synchronous>, transform_indices = @transform_8, window_bounds = array<i64: 128, 64>}, {pipeline_mode = #tpu.pipeline_mode<synchronous>, transform_indices = @transform_9, window_bounds = array<i64: 1, 64>}, {pipeline_mode = #tpu.pipeline_mode<synchronous>, transform_indices = @transform_10, window_bounds = array<i64: 128, 64>}, {pipeline_mode = #tpu.pipeline_mode<synchronous>, transform_indices = @transform_11, window_bounds = array<i64: 1, 64>}, {transform_indices = @transform_12, window_bounds = array<i64: 1, 512, 128>}, {transform_indices = @transform_13, window_bounds = array<i64: 1, 512, 64>}, {transform_indices = @transform_14, window_bounds = array<i64: 1, 512, 64>}]} {
    %get3A = arith.constant 0 : index
    %get3A_0 = arith.constant 0 : index
    %get3A_1 = arith.constant 0 : index
    %get3A_2 = vector.load %arg2[%get3A, %get3A_0, %get3A_1] : memref<1x128x512xf32, #tpu.memory_space<vmem>>, vector<1x128x512xf32>
    %get3A_3 = vector.shape_cast %get3A_2 : vector<1x128x512xf32> to vector<128x512xf32>
    %transpose3A = tpu.transpose %get3A_3, [1, 0] : vector<128x512xf32> -> vector<512x128xf32>
    %get3A_4 = arith.constant 0 : index
    %get3A_5 = arith.constant 0 : index
    %get3A_6 = arith.constant 0 : index
    %get3A_7 = vector.load %arg3[%get3A_4, %get3A_5, %get3A_6] : memref<1x512x128xf32, #tpu.memory_space<vmem>>, vector<1x512x128xf32>
    %get3A_8 = vector.shape_cast %get3A_7 : vector<1x512x128xf32> to vector<512x128xf32>
    %concatenate3A = tpu.concatenate %transpose3A, %get3A_8 in 1 : vector<512x128xf32>, vector<512x128xf32> -> vector<512x256xf32>
    %get3A_9 = arith.constant 0 : index
    %get3A_10 = arith.constant 0 : index
    %get3A_11 = vector.load %arg4[%get3A_9, %get3A_10] : memref<256x128xf32, #tpu.memory_space<vmem>>, vector<256x128xf32>
    %dot_general3A = arith.constant dense<0.000000e+00> : vector<512x128xf32>
    %dot_general3A_12 = tpu.matmul %concatenate3A, %get3A_11, %dot_general3A {dimension_numbers = #tpu.dot_dimension_numbers<[1], [0], [0], [1], [0, 0, 1, 1], [], []>, transpose_lhs_hint = false} : vector<512x256xf32>, vector<256x128xf32>, vector<512x128xf32> -> vector<512x128xf32>
    %get3A_13 = arith.constant 0 : index
    %get3A_14 = arith.constant 0 : index
    %get3A_15 = vector.load %arg5[%get3A_13, %get3A_14] : memref<1x128xf32, #tpu.memory_space<vmem>>, vector<1x128xf32>
    %add3A = vector.broadcast %get3A_15 : vector<1x128xf32> to vector<512x128xf32>
    %add3A_16 = arith.addf %dot_general3A_12, %add3A : vector<512x128xf32>
    %get3A_17 = arith.constant 0 : index
    %get3A_18 = arith.constant 0 : index
    %get3A_19 = vector.load %arg6[%get3A_17, %get3A_18] : memref<256x128xf32, #tpu.memory_space<vmem>>, vector<256x128xf32>
    %dot_general3A_20 = arith.constant dense<0.000000e+00> : vector<512x128xf32>
    %dot_general3A_21 = tpu.matmul %concatenate3A, %get3A_19, %dot_general3A_20 {dimension_numbers = #tpu.dot_dimension_numbers<[1], [0], [0], [1], [0, 0, 1, 1], [], []>, transpose_lhs_hint = false} : vector<512x256xf32>, vector<256x128xf32>, vector<512x128xf32> -> vector<512x128xf32>
    %get3A_22 = arith.constant 0 : index
    %get3A_23 = arith.constant 0 : index
    %get3A_24 = vector.load %arg7[%get3A_22, %get3A_23] : memref<1x128xf32, #tpu.memory_space<vmem>>, vector<1x128xf32>
    %add3A_25 = vector.broadcast %get3A_24 : vector<1x128xf32> to vector<512x128xf32>
    %add3A_26 = arith.addf %dot_general3A_21, %add3A_25 : vector<512x128xf32>
    %max3A = arith.constant 0.000000e+00 : f32
    %max3A_27 = vector.broadcast %max3A : f32 to vector<512x128xf32>
    %max3A_28 = arith.maximumf %add3A_26, %max3A_27 : vector<512x128xf32>
    %get3A_29 = arith.constant 0 : index
    %get3A_30 = arith.constant 0 : index
    %get3A_31 = vector.load %arg8[%get3A_29, %get3A_30] : memref<128x128xf32, #tpu.memory_space<vmem>>, vector<128x128xf32>
    %dot_general3A_32 = arith.constant dense<0.000000e+00> : vector<512x128xf32>
    %dot_general3A_33 = tpu.matmul %max3A_28, %get3A_31, %dot_general3A_32 {dimension_numbers = #tpu.dot_dimension_numbers<[1], [0], [0], [1], [0, 0, 1, 1], [], []>, transpose_lhs_hint = false} : vector<512x128xf32>, vector<128x128xf32>, vector<512x128xf32> -> vector<512x128xf32>
    %get3A_34 = arith.constant 0 : index
    %get3A_35 = arith.constant 0 : index
    %get3A_36 = vector.load %arg9[%get3A_34, %get3A_35] : memref<1x128xf32, #tpu.memory_space<vmem>>, vector<1x128xf32>
    %add3A_37 = vector.broadcast %get3A_36 : vector<1x128xf32> to vector<512x128xf32>
    %add3A_38 = arith.addf %dot_general3A_33, %add3A_37 : vector<512x128xf32>
    %add3A_39 = arith.addf %add3A_38, %add3A_16 : vector<512x128xf32>
    %swap3A = arith.constant 0 : index
    %swap3A_40 = arith.constant 0 : index
    %swap3A_41 = arith.constant 0 : index
    %swap3A_42 = vector.load %arg14[%swap3A, %swap3A_40, %swap3A_41] : memref<1x512x128xf32, #tpu.memory_space<vmem>>, vector<1x512x128xf32>
    %swap3A_43 = vector.shape_cast %swap3A_42 : vector<1x512x128xf32> to vector<512x128xf32>
    %swap3A_44 = vector.shape_cast %add3A_39 : vector<512x128xf32> to vector<1x512x128xf32>
    tpu.vector_store %arg14[%swap3A, %swap3A_40, %swap3A_41], %swap3A_44 {strides = array<i32>} : memref<1x512x128xf32, #tpu.memory_space<vmem>>, vector<1x512x128xf32>,
    %get3A_45 = arith.constant 0 : index
    %get3A_46 = arith.constant 0 : index
    %get3A_47 = vector.load %arg10[%get3A_45, %get3A_46] : memref<128x64xf32, #tpu.memory_space<vmem>>, vector<128x64xf32>
    %dot_general3A_48 = arith.constant dense<0.000000e+00> : vector<512x64xf32>
    %dot_general3A_49 = tpu.matmul %get3A_8, %get3A_47, %dot_general3A_48 {dimension_numbers = #tpu.dot_dimension_numbers<[1], [0], [0], [1], [0, 0, 1, 1], [], []>, transpose_lhs_hint = false} : vector<512x128xf32>, vector<128x64xf32>, vector<512x64xf32> -> vector<512x64xf32>
    %get3A_50 = arith.constant 0 : index
    %get3A_51 = arith.constant 0 : index
    %get3A_52 = vector.load %arg11[%get3A_50, %get3A_51] : memref<1x64xf32, #tpu.memory_space<vmem>>, vector<1x64xf32>
    %add3A_53 = vector.broadcast %get3A_52 : vector<1x64xf32> to vector<512x64xf32>
    %add3A_54 = arith.addf %dot_general3A_49, %add3A_53 : vector<512x64xf32>
    %swap3A_55 = arith.constant 0 : index
    %swap3A_56 = arith.constant 0 : index
    %swap3A_57 = arith.constant 0 : index
    %swap3A_58 = vector.load %arg15[%swap3A_55, %swap3A_56, %swap3A_57] : memref<1x512x64xf32, #tpu.memory_space<vmem>>, vector<1x512x64xf32>
    %swap3A_59 = vector.shape_cast %swap3A_58 : vector<1x512x64xf32> to vector<512x64xf32>
    %swap3A_60 = vector.shape_cast %add3A_54 : vector<512x64xf32> to vector<1x512x64xf32>
    tpu.vector_store %arg15[%swap3A_55, %swap3A_56, %swap3A_57], %swap3A_60 {strides = array<i32>} : memref<1x512x64xf32, #tpu.memory_space<vmem>>, vector<1x512x64xf32>,
    %get3A_61 = arith.constant 0 : index
    %get3A_62 = arith.constant 0 : index
    %get3A_63 = vector.load %arg12[%get3A_61, %get3A_62] : memref<128x64xf32, #tpu.memory_space<vmem>>, vector<128x64xf32>
    %dot_general3A_64 = arith.constant dense<0.000000e+00> : vector<512x64xf32>
    %dot_general3A_65 = tpu.matmul %add3A_39, %get3A_63, %dot_general3A_64 {dimension_numbers = #tpu.dot_dimension_numbers<[1], [0], [0], [1], [0, 0, 1, 1], [], []>, transpose_lhs_hint = false} : vector<512x128xf32>, vector<128x64xf32>, vector<512x64xf32> -> vector<512x64xf32>
    %get3A_66 = arith.constant 0 : index
    %get3A_67 = arith.constant 0 : index
    %get3A_68 = vector.load %arg13[%get3A_66, %get3A_67] : memref<1x64xf32, #tpu.memory_space<vmem>>, vector<1x64xf32>
    %add3A_69 = vector.broadcast %get3A_68 : vector<1x64xf32> to vector<512x64xf32>
    %add3A_70 = arith.addf %dot_general3A_65, %add3A_69 : vector<512x64xf32>
    %swap3A_71 = arith.constant 0 : index
    %swap3A_72 = arith.constant 0 : index
    %swap3A_73 = arith.constant 0 : index
    %swap3A_74 = vector.load %arg16[%swap3A_71, %swap3A_72, %swap3A_73] : memref<1x512x64xf32, #tpu.memory_space<vmem>>, vector<1x512x64xf32>
    %swap3A_75 = vector.shape_cast %swap3A_74 : vector<1x512x64xf32> to vector<512x64xf32>
    %swap3A_76 = vector.shape_cast %add3A_70 : vector<512x64xf32> to vector<1x512x64xf32>
    tpu.vector_store %arg16[%swap3A_71, %swap3A_72, %swap3A_73], %swap3A_76 {strides = array<i32>} : memref<1x512x64xf32, #tpu.memory_space<vmem>>, vector<1x512x64xf32>,
    return
  }
  func.func @transform_0(%arg0: i32, %arg1: i32) -> (i32, i32, i32) {
    %c0_i32 = arith.constant 0 : i32
    %c0_i32_0 = arith.constant 0 : i32
    return %arg0, %c0_i32, %arg1 : i32, i32, i32
  }
  func.func @transform_1(%arg0: i32, %arg1: i32) -> (i32, i32, i32) {
    %c0_i32 = arith.constant 0 : i32
    %c0_i32_0 = arith.constant 0 : i32
    return %arg0, %arg1, %c0_i32 : i32, i32, i32
  }
  func.func @transform_2(%arg0: i32, %arg1: i32) -> (i32, i32) {
    %c0_i32 = arith.constant 0 : i32
    %c0_i32_0 = arith.constant 0 : i32
    %c0_i32_1 = arith.constant 0 : i32
    return %c0_i32, %c0_i32_0 : i32, i32
  }
  func.func @transform_3(%arg0: i32, %arg1: i32) -> (i32, i32) {
    %c0_i32 = arith.constant 0 : i32
    %c0_i32_0 = arith.constant 0 : i32
    %c0_i32_1 = arith.constant 0 : i32
    return %c0_i32, %c0_i32_0 : i32, i32
  }
  func.func @transform_4(%arg0: i32, %arg1: i32) -> (i32, i32) {
    %c0_i32 = arith.constant 0 : i32
    %c0_i32_0 = arith.constant 0 : i32
    %c0_i32_1 = arith.constant 0 : i32
    return %c0_i32, %c0_i32_0 : i32, i32
  }
  func.func @transform_5(%arg0: i32, %arg1: i32) -> (i32, i32) {
    %c0_i32 = arith.constant 0 : i32
    %c0_i32_0 = arith.constant 0 : i32
    %c0_i32_1 = arith.constant 0 : i32
    return %c0_i32, %c0_i32_0 : i32, i32
  }
  func.func @transform_6(%arg0: i32, %arg1: i32) -> (i32, i32) {
    %c0_i32 = arith.constant 0 : i32
    %c0_i32_0 = arith.constant 0 : i32
    %c0_i32_1 = arith.constant 0 : i32
    return %c0_i32, %c0_i32_0 : i32, i32
  }
  func.func @transform_7(%arg0: i32, %arg1: i32) -> (i32, i32) {
    %c0_i32 = arith.constant 0 : i32
    %c0_i32_0 = arith.constant 0 : i32
    %c0_i32_1 = arith.constant 0 : i32
    return %c0_i32, %c0_i32_0 : i32, i32
  }
  func.func @transform_8(%arg0: i32, %arg1: i32) -> (i32, i32) {
    %c0_i32 = arith.constant 0 : i32
    %c0_i32_0 = arith.constant 0 : i32
    %c0_i32_1 = arith.constant 0 : i32
    return %c0_i32, %c0_i32_0 : i32, i32
  }
  func.func @transform_9(%arg0: i32, %arg1: i32) -> (i32, i32) {
    %c0_i32 = arith.constant 0 : i32
    %c0_i32_0 = arith.constant 0 : i32
    %c0_i32_1 = arith.constant 0 : i32
    return %c0_i32, %c0_i32_0 : i32, i32
  }
  func.func @transform_10(%arg0: i32, %arg1: i32) -> (i32, i32) {
    %c0_i32 = arith.constant 0 : i32
    %c0_i32_0 = arith.constant 0 : i32
    %c0_i32_1 = arith.constant 0 : i32
    return %c0_i32, %c0_i32_0 : i32, i32
  }
  func.func @transform_11(%arg0: i32, %arg1: i32) -> (i32, i32) {
    %c0_i32 = arith.constant 0 : i32
    %c0_i32_0 = arith.constant 0 : i32
    %c0_i32_1 = arith.constant 0 : i32
    return %c0_i32, %c0_i32_0 : i32, i32
  }
  func.func @transform_12(%arg0: i32, %arg1: i32) -> (i32, i32, i32) {
    %c0_i32 = arith.constant 0 : i32
    %c0_i32_0 = arith.constant 0 : i32
    return %arg0, %arg1, %c0_i32 : i32, i32, i32
  }
  func.func @transform_13(%arg0: i32, %arg1: i32) -> (i32, i32, i32) {
    %c0_i32 = arith.constant 0 : i32
    %c0_i32_0 = arith.constant 0 : i32
    return %arg0, %arg1, %c0_i32 : i32, i32, i32
  }
  func.func @transform_14(%arg0: i32, %arg1: i32) -> (i32, i32, i32) {
    %c0_i32 = arith.constant 0 : i32
    %c0_i32_0 = arith.constant 0 : i32
    return %arg0, %arg1, %c0_i32 : i32, i32, i32
  }
}

module attributes {stable_mosaic.version = 14 : i64} {
  func.func @_q_body(%arg0: i32, %arg1: i32, %arg2: memref<1x512x128xf32, #tpu.memory_space<vmem>>, %arg3: memref<1x1x128xf32, #tpu.memory_space<vmem>>, %arg4: memref<1x1x512xf32, #tpu.memory_space<vmem>>, %arg5: memref<128x256xf32, #tpu.memory_space<vmem>>, %arg6: memref<128x256xf32, #tpu.memory_space<vmem>>, %arg7: memref<512x256xf32, #tpu.memory_space<vmem>>, %arg8: memref<1x256xf32, #tpu.memory_space<vmem>>, %arg9: memref<256x128xf32, #tpu.memory_space<vmem>>, %arg10: memref<1x128xf32, #tpu.memory_space<vmem>>, %arg11: memref<1x512x128xf32, #tpu.memory_space<vmem>>) attributes {dimension_semantics = [#tpu.dimension_semantics<arbitrary>, #tpu.dimension_semantics<arbitrary>], iteration_bounds = array<i64: 4, 4>, scalar_prefetch = 0 : i64, scratch_operands = 0 : i64, tpu.core_type = #tpu.core_type<tc>, window_params = [{transform_indices = @transform_0, window_bounds = array<i64: 1, 512, 128>}, {transform_indices = @transform_1, window_bounds = array<i64: 1, 1, 128>}, {transform_indices = @transform_2, window_bounds = array<i64: 1, 1, 512>}, {pipeline_mode = #tpu.pipeline_mode<synchronous>, transform_indices = @transform_3, window_bounds = array<i64: 128, 256>}, {pipeline_mode = #tpu.pipeline_mode<synchronous>, transform_indices = @transform_4, window_bounds = array<i64: 128, 256>}, {pipeline_mode = #tpu.pipeline_mode<synchronous>, transform_indices = @transform_5, window_bounds = array<i64: 512, 256>}, {pipeline_mode = #tpu.pipeline_mode<synchronous>, transform_indices = @transform_6, window_bounds = array<i64: 1, 256>}, {pipeline_mode = #tpu.pipeline_mode<synchronous>, transform_indices = @transform_7, window_bounds = array<i64: 256, 128>}, {pipeline_mode = #tpu.pipeline_mode<synchronous>, transform_indices = @transform_8, window_bounds = array<i64: 1, 128>}, {transform_indices = @transform_9, window_bounds = array<i64: 1, 512, 128>}]} {
    %get3A = arith.constant 0 : index
    %get3A_0 = arith.constant 0 : index
    %get3A_1 = arith.constant 0 : index
    %get3A_2 = vector.load %arg3[%get3A, %get3A_0, %get3A_1] : memref<1x1x128xf32, #tpu.memory_space<vmem>>, vector<1x1x128xf32>
    %get3A_3 = vector.shape_cast %get3A_2 : vector<1x1x128xf32> to vector<1x128xf32>
    %get3A_4 = arith.constant 0 : index
    %get3A_5 = arith.constant 0 : index
    %get3A_6 = vector.load %arg6[%get3A_4, %get3A_5] : memref<128x256xf32, #tpu.memory_space<vmem>>, vector<128x256xf32>
    %dot_general3A = arith.constant dense<0.000000e+00> : vector<1x256xf32>
    %dot_general3A_7 = tpu.matmul %get3A_3, %get3A_6, %dot_general3A {dimension_numbers = #tpu.dot_dimension_numbers<[1], [0], [0], [1], [0, 0, 1, 1], [], []>, transpose_lhs_hint = false} : vector<1x128xf32>, vector<128x256xf32>, vector<1x256xf32> -> vector<1x256xf32>
    %get3A_8 = arith.constant 0 : index
    %get3A_9 = arith.constant 0 : index
    %get3A_10 = arith.constant 0 : index
    %get3A_11 = vector.load %arg4[%get3A_8, %get3A_9, %get3A_10] : memref<1x1x512xf32, #tpu.memory_space<vmem>>, vector<1x1x512xf32>
    %get3A_12 = vector.shape_cast %get3A_11 : vector<1x1x512xf32> to vector<1x512xf32>
    %get3A_13 = arith.constant 0 : index
    %get3A_14 = arith.constant 0 : index
    %get3A_15 = vector.load %arg7[%get3A_13, %get3A_14] : memref<512x256xf32, #tpu.memory_space<vmem>>, vector<512x256xf32>
    %dot_general3A_16 = arith.constant dense<0.000000e+00> : vector<1x256xf32>
    %dot_general3A_17 = tpu.matmul %get3A_12, %get3A_15, %dot_general3A_16 {dimension_numbers = #tpu.dot_dimension_numbers<[1], [0], [0], [1], [0, 0, 1, 1], [], []>, transpose_lhs_hint = false} : vector<1x512xf32>, vector<512x256xf32>, vector<1x256xf32> -> vector<1x256xf32>
    %add3A = arith.addf %dot_general3A_7, %dot_general3A_17 : vector<1x256xf32>
    %get3A_18 = arith.constant 0 : index
    %get3A_19 = arith.constant 0 : index
    %get3A_20 = vector.load %arg8[%get3A_18, %get3A_19] : memref<1x256xf32, #tpu.memory_space<vmem>>, vector<1x256xf32>
    %add3A_21 = arith.addf %add3A, %get3A_20 : vector<1x256xf32>
    %get3A_22 = arith.constant 0 : index
    %get3A_23 = arith.constant 0 : index
    %get3A_24 = arith.constant 0 : index
    %get3A_25 = vector.load %arg2[%get3A_22, %get3A_23, %get3A_24] : memref<1x512x128xf32, #tpu.memory_space<vmem>>, vector<1x512x128xf32>
    %get3A_26 = vector.shape_cast %get3A_25 : vector<1x512x128xf32> to vector<512x128xf32>
    %get3A_27 = arith.constant 0 : index
    %get3A_28 = arith.constant 0 : index
    %get3A_29 = vector.load %arg5[%get3A_27, %get3A_28] : memref<128x256xf32, #tpu.memory_space<vmem>>, vector<128x256xf32>
    %dot_general3A_30 = arith.constant dense<0.000000e+00> : vector<512x256xf32>
    %dot_general3A_31 = tpu.matmul %get3A_26, %get3A_29, %dot_general3A_30 {dimension_numbers = #tpu.dot_dimension_numbers<[1], [0], [0], [1], [0, 0, 1, 1], [], []>, transpose_lhs_hint = false} : vector<512x128xf32>, vector<128x256xf32>, vector<512x256xf32> -> vector<512x256xf32>
    %add3A_32 = vector.broadcast %add3A_21 : vector<1x256xf32> to vector<512x256xf32>
    %add3A_33 = arith.addf %dot_general3A_31, %add3A_32 : vector<512x256xf32>
    %max3A = arith.constant 0.000000e+00 : f32
    %max3A_34 = vector.broadcast %max3A : f32 to vector<512x256xf32>
    %max3A_35 = arith.maximumf %add3A_33, %max3A_34 : vector<512x256xf32>
    %get3A_36 = arith.constant 0 : index
    %get3A_37 = arith.constant 0 : index
    %get3A_38 = vector.load %arg9[%get3A_36, %get3A_37] : memref<256x128xf32, #tpu.memory_space<vmem>>, vector<256x128xf32>
    %dot_general3A_39 = arith.constant dense<0.000000e+00> : vector<512x128xf32>
    %dot_general3A_40 = tpu.matmul %max3A_35, %get3A_38, %dot_general3A_39 {dimension_numbers = #tpu.dot_dimension_numbers<[1], [0], [0], [1], [0, 0, 1, 1], [], []>, transpose_lhs_hint = false} : vector<512x256xf32>, vector<256x128xf32>, vector<512x128xf32> -> vector<512x128xf32>
    %get3A_41 = arith.constant 0 : index
    %get3A_42 = arith.constant 0 : index
    %get3A_43 = vector.load %arg10[%get3A_41, %get3A_42] : memref<1x128xf32, #tpu.memory_space<vmem>>, vector<1x128xf32>
    %add3A_44 = vector.broadcast %get3A_43 : vector<1x128xf32> to vector<512x128xf32>
    %add3A_45 = arith.addf %dot_general3A_40, %add3A_44 : vector<512x128xf32>
    %swap3A = arith.constant 0 : index
    %swap3A_46 = arith.constant 0 : index
    %swap3A_47 = arith.constant 0 : index
    %swap3A_48 = vector.load %arg11[%swap3A, %swap3A_46, %swap3A_47] : memref<1x512x128xf32, #tpu.memory_space<vmem>>, vector<1x512x128xf32>
    %swap3A_49 = vector.shape_cast %swap3A_48 : vector<1x512x128xf32> to vector<512x128xf32>
    %swap3A_50 = vector.shape_cast %add3A_45 : vector<512x128xf32> to vector<1x512x128xf32>
    tpu.vector_store %arg11[%swap3A, %swap3A_46, %swap3A_47], %swap3A_50 {strides = array<i32>} : memref<1x512x128xf32, #tpu.memory_space<vmem>>, vector<1x512x128xf32>,
    return
  }
  func.func @transform_0(%arg0: i32, %arg1: i32) -> (i32, i32, i32) {
    %c0_i32 = arith.constant 0 : i32
    %c0_i32_0 = arith.constant 0 : i32
    return %arg0, %arg1, %c0_i32 : i32, i32, i32
  }
  func.func @transform_1(%arg0: i32, %arg1: i32) -> (i32, i32, i32) {
    %c0_i32 = arith.constant 0 : i32
    %c0_i32_0 = arith.constant 0 : i32
    %c0_i32_1 = arith.constant 0 : i32
    return %arg0, %c0_i32, %c0_i32_0 : i32, i32, i32
  }
  func.func @transform_2(%arg0: i32, %arg1: i32) -> (i32, i32, i32) {
    %c0_i32 = arith.constant 0 : i32
    %c0_i32_0 = arith.constant 0 : i32
    %c0_i32_1 = arith.constant 0 : i32
    return %arg0, %c0_i32, %c0_i32_0 : i32, i32, i32
  }
  func.func @transform_3(%arg0: i32, %arg1: i32) -> (i32, i32) {
    %c0_i32 = arith.constant 0 : i32
    %c0_i32_0 = arith.constant 0 : i32
    %c0_i32_1 = arith.constant 0 : i32
    return %c0_i32, %c0_i32_0 : i32, i32
  }
  func.func @transform_4(%arg0: i32, %arg1: i32) -> (i32, i32) {
    %c0_i32 = arith.constant 0 : i32
    %c0_i32_0 = arith.constant 0 : i32
    %c0_i32_1 = arith.constant 0 : i32
    return %c0_i32, %c0_i32_0 : i32, i32
  }
  func.func @transform_5(%arg0: i32, %arg1: i32) -> (i32, i32) {
    %c0_i32 = arith.constant 0 : i32
    %c0_i32_0 = arith.constant 0 : i32
    %c0_i32_1 = arith.constant 0 : i32
    return %c0_i32, %c0_i32_0 : i32, i32
  }
  func.func @transform_6(%arg0: i32, %arg1: i32) -> (i32, i32) {
    %c0_i32 = arith.constant 0 : i32
    %c0_i32_0 = arith.constant 0 : i32
    %c0_i32_1 = arith.constant 0 : i32
    return %c0_i32, %c0_i32_0 : i32, i32
  }
  func.func @transform_7(%arg0: i32, %arg1: i32) -> (i32, i32) {
    %c0_i32 = arith.constant 0 : i32
    %c0_i32_0 = arith.constant 0 : i32
    %c0_i32_1 = arith.constant 0 : i32
    return %c0_i32, %c0_i32_0 : i32, i32
  }
  func.func @transform_8(%arg0: i32, %arg1: i32) -> (i32, i32) {
    %c0_i32 = arith.constant 0 : i32
    %c0_i32_0 = arith.constant 0 : i32
    %c0_i32_1 = arith.constant 0 : i32
    return %c0_i32, %c0_i32_0 : i32, i32
  }
  func.func @transform_9(%arg0: i32, %arg1: i32) -> (i32, i32, i32) {
    %c0_i32 = arith.constant 0 : i32
    %c0_i32_0 = arith.constant 0 : i32
    return %arg0, %arg1, %c0_i32 : i32, i32, i32
  }
}

module attributes {stable_mosaic.version = 14 : i64} {
  func.func @_att_body(%arg0: i32, %arg1: i32, %arg2: memref<1x4096x128xf32, #tpu.memory_space<vmem>>, %arg3: memref<1x256x64xf32, #tpu.memory_space<vmem>>, %arg4: memref<1x256x64xf32, #tpu.memory_space<vmem>>, %arg5: memref<1x256x128xf32, #tpu.memory_space<vmem>>, %arg6: memref<1x256x128xf32, #tpu.memory_space<vmem>>, %arg7: memref<1x128xf32, #tpu.memory_space<vmem>>, %arg8: memref<1x128xf32, #tpu.memory_space<vmem>>, %arg9: memref<1x128xf32, #tpu.memory_space<vmem>>, %arg10: memref<128x64xf32, #tpu.memory_space<vmem>>, %arg11: memref<1x64xf32, #tpu.memory_space<vmem>>, %arg12: memref<64x256xf32, #tpu.memory_space<vmem>>, %arg13: memref<1x256xf32, #tpu.memory_space<vmem>>, %arg14: memref<1x256xf32, #tpu.memory_space<vmem>>, %arg15: memref<1x256xf32, #tpu.memory_space<vmem>>, %arg16: memref<256x128xf32, #tpu.memory_space<vmem>>, %arg17: memref<1x128xf32, #tpu.memory_space<vmem>>, %arg18: memref<64x128xf32, #tpu.memory_space<vmem>>, %arg19: memref<1x128xf32, #tpu.memory_space<vmem>>, %arg20: memref<128x64xf32, #tpu.memory_space<vmem>>, %arg21: memref<1x64xf32, #tpu.memory_space<vmem>>, %arg22: memref<64x32xf32, #tpu.memory_space<vmem>>, %arg23: memref<1x32xf32, #tpu.memory_space<vmem>>, %arg24: memref<32x256xf32, #tpu.memory_space<vmem>>, %arg25: memref<1x256x128xf32, #tpu.memory_space<vmem>>, %arg26: memref<1x512x128xf32, #tpu.memory_space<vmem>>) attributes {dimension_semantics = [#tpu.dimension_semantics<arbitrary>, #tpu.dimension_semantics<arbitrary>], iteration_bounds = array<i64: 4, 8>, scalar_prefetch = 0 : i64, scratch_operands = 0 : i64, tpu.core_type = #tpu.core_type<tc>, window_params = [{transform_indices = @transform_0, window_bounds = array<i64: 1, 4096, 128>}, {transform_indices = @transform_1, window_bounds = array<i64: 1, 256, 64>}, {transform_indices = @transform_2, window_bounds = array<i64: 1, 256, 64>}, {transform_indices = @transform_3, window_bounds = array<i64: 1, 256, 128>}, {transform_indices = @transform_4, window_bounds = array<i64: 1, 256, 128>}, {pipeline_mode = #tpu.pipeline_mode<synchronous>, transform_indices = @transform_5, window_bounds = array<i64: 1, 128>}, {pipeline_mode = #tpu.pipeline_mode<synchronous>, transform_indices = @transform_6, window_bounds = array<i64: 1, 128>}, {pipeline_mode = #tpu.pipeline_mode<synchronous>, transform_indices = @transform_7, window_bounds = array<i64: 1, 128>}, {pipeline_mode = #tpu.pipeline_mode<synchronous>, transform_indices = @transform_8, window_bounds = array<i64: 128, 64>}, {pipeline_mode = #tpu.pipeline_mode<synchronous>, transform_indices = @transform_9, window_bounds = array<i64: 1, 64>}, {pipeline_mode = #tpu.pipeline_mode<synchronous>, transform_indices = @transform_10, window_bounds = array<i64: 64, 256>}, {pipeline_mode = #tpu.pipeline_mode<synchronous>, transform_indices = @transform_11, window_bounds = array<i64: 1, 256>}, {pipeline_mode = #tpu.pipeline_mode<synchronous>, transform_indices = @transform_12, window_bounds = array<i64: 1, 256>}, {pipeline_mode = #tpu.pipeline_mode<synchronous>, transform_indices = @transform_13, window_bounds = array<i64: 1, 256>}, {pipeline_mode = #tpu.pipeline_mode<synchronous>, transform_indices = @transform_14, window_bounds = array<i64: 256, 128>}, {pipeline_mode = #tpu.pipeline_mode<synchronous>, transform_indices = @transform_15, window_bounds = array<i64: 1, 128>}, {pipeline_mode = #tpu.pipeline_mode<synchronous>, transform_indices = @transform_16, window_bounds = array<i64: 64, 128>}, {pipeline_mode = #tpu.pipeline_mode<synchronous>, transform_indices = @transform_17, window_bounds = array<i64: 1, 128>}, {pipeline_mode = #tpu.pipeline_mode<synchronous>, transform_indices = @transform_18, window_bounds = array<i64: 128, 64>}, {pipeline_mode = #tpu.pipeline_mode<synchronous>, transform_indices = @transform_19, window_bounds = array<i64: 1, 64>}, {pipeline_mode = #tpu.pipeline_mode<synchronous>, transform_indices = @transform_20, window_bounds = array<i64: 64, 32>}, {pipeline_mode = #tpu.pipeline_mode<synchronous>, transform_indices = @transform_21, window_bounds = array<i64: 1, 32>}, {pipeline_mode = #tpu.pipeline_mode<synchronous>, transform_indices = @transform_22, window_bounds = array<i64: 32, 256>}, {transform_indices = @transform_23, window_bounds = array<i64: 1, 256, 128>}, {transform_indices = @transform_24, window_bounds = array<i64: 1, 512, 128>}]} {
    %get3A = arith.constant 0 : index
    %get3A_0 = arith.constant 0 : index
    %get3A_1 = arith.constant 0 : index
    %get3A_2 = vector.load %arg2[%get3A, %get3A_0, %get3A_1] : memref<1x4096x128xf32, #tpu.memory_space<vmem>>, vector<1x4096x128xf32>
    %get3A_3 = vector.shape_cast %get3A_2 : vector<1x4096x128xf32> to vector<4096x128xf32>
    %get3A_4 = arith.constant 0 : index
    %get3A_5 = arith.constant 0 : index
    %get3A_6 = arith.constant 0 : index
    %get3A_7 = vector.load %arg3[%get3A_4, %get3A_5, %get3A_6] : memref<1x256x64xf32, #tpu.memory_space<vmem>>, vector<1x256x64xf32>
    %get3A_8 = vector.shape_cast %get3A_7 : vector<1x256x64xf32> to vector<256x64xf32>
    %get3A_9 = arith.constant 0 : index
    %get3A_10 = arith.constant 0 : index
    %get3A_11 = arith.constant 0 : index
    %get3A_12 = vector.load %arg5[%get3A_9, %get3A_10, %get3A_11] : memref<1x256x128xf32, #tpu.memory_space<vmem>>, vector<1x256x128xf32>
    %get3A_13 = vector.shape_cast %get3A_12 : vector<1x256x128xf32> to vector<256x128xf32>
    %slice3A = vector.extract_strided_slice %get3A_13 {offsets = [0, 64], sizes = [256, 64], strides = [1, 1]} : vector<256x128xf32> to vector<256x64xf32>
    %concatenate3A = tpu.concatenate %get3A_8, %slice3A in 1 : vector<256x64xf32>, vector<256x64xf32> -> vector<256x128xf32>
    %broadcast_in_dim3A = vector.shape_cast %concatenate3A : vector<256x128xf32> to vector<256x1x128xf32>
    %broadcast_in_dim3A_14 = vector.shape_cast %broadcast_in_dim3A : vector<256x1x128xf32> to vector<256x1x128xf32>
    %broadcast_in_dim3A_15 = vector.broadcast %broadcast_in_dim3A_14 : vector<256x1x128xf32> to vector<256x16x128xf32>
    %reshape3A = vector.shape_cast %broadcast_in_dim3A_15 : vector<256x16x128xf32> to vector<4096x128xf32>
    %sub3A = arith.subf %reshape3A, %get3A_3 : vector<4096x128xf32>
    %get3A_16 = arith.constant 0 : index
    %get3A_17 = arith.constant 0 : index
    %get3A_18 = vector.load %arg7[%get3A_16, %get3A_17] : memref<1x128xf32, #tpu.memory_space<vmem>>, vector<1x128xf32>
    %add3A = vector.broadcast %get3A_18 : vector<1x128xf32> to vector<4096x128xf32>
    %add3A_19 = arith.addf %sub3A, %add3A : vector<4096x128xf32>
    %get3A_20 = arith.constant 0 : index
    %get3A_21 = arith.constant 0 : index
    %get3A_22 = vector.load %arg8[%get3A_20, %get3A_21] : memref<1x128xf32, #tpu.memory_space<vmem>>, vector<1x128xf32>
    %mul3A = vector.broadcast %get3A_22 : vector<1x128xf32> to vector<4096x128xf32>
    %mul3A_23 = arith.mulf %add3A_19, %mul3A : vector<4096x128xf32>
    %get3A_24 = arith.constant 0 : index
    %get3A_25 = arith.constant 0 : index
    %get3A_26 = vector.load %arg9[%get3A_24, %get3A_25] : memref<1x128xf32, #tpu.memory_space<vmem>>, vector<1x128xf32>
    %add3A_27 = vector.broadcast %get3A_26 : vector<1x128xf32> to vector<4096x128xf32>
    %add3A_28 = arith.addf %mul3A_23, %add3A_27 : vector<4096x128xf32>
    %iota3A = tpu.iota {dimensions = array<i32: 1>} : vector<4096x128xi32>
    %ge3A = arith.constant 64 : i32
    %ge3A_29 = vector.broadcast %ge3A : i32 to vector<4096x128xi32>
    %ge3A_30 = arith.cmpi sge, %iota3A, %ge3A_29 : vector<4096x128xi32>
    %max3A = arith.constant 0.000000e+00 : f32
    %max3A_31 = vector.broadcast %max3A : f32 to vector<4096x128xf32>
    %max3A_32 = arith.maximumf %add3A_28, %max3A_31 : vector<4096x128xf32>
    %select_n3A = arith.select %ge3A_30, %max3A_32, %add3A_28 : vector<4096x128xi1>, vector<4096x128xf32>
    %get3A_33 = arith.constant 0 : index
    %get3A_34 = arith.constant 0 : index
    %get3A_35 = vector.load %arg10[%get3A_33, %get3A_34] : memref<128x64xf32, #tpu.memory_space<vmem>>, vector<128x64xf32>
    %dot_general3A = arith.constant dense<0.000000e+00> : vector<4096x64xf32>
    %dot_general3A_36 = tpu.matmul %select_n3A, %get3A_35, %dot_general3A {dimension_numbers = #tpu.dot_dimension_numbers<[1], [0], [0], [1], [0, 0, 1, 1], [], []>, transpose_lhs_hint = false} : vector<4096x128xf32>, vector<128x64xf32>, vector<4096x64xf32> -> vector<4096x64xf32>
    %get3A_37 = arith.constant 0 : index
    %get3A_38 = arith.constant 0 : index
    %get3A_39 = vector.load %arg11[%get3A_37, %get3A_38] : memref<1x64xf32, #tpu.memory_space<vmem>>, vector<1x64xf32>
    %add3A_40 = vector.broadcast %get3A_39 : vector<1x64xf32> to vector<4096x64xf32>
    %add3A_41 = arith.addf %dot_general3A_36, %add3A_40 : vector<4096x64xf32>
    %slice3A_42 = vector.extract_strided_slice %select_n3A {offsets = [0, 0], sizes = [4096, 64], strides = [1, 1]} : vector<4096x128xf32> to vector<4096x64xf32>
    %add3A_43 = arith.addf %slice3A_42, %add3A_41 : vector<4096x64xf32>
    %get3A_44 = arith.constant 0 : index
    %get3A_45 = arith.constant 0 : index
    %get3A_46 = vector.load %arg12[%get3A_44, %get3A_45] : memref<64x256xf32, #tpu.memory_space<vmem>>, vector<64x256xf32>
    %dot_general3A_47 = arith.constant dense<0.000000e+00> : vector<4096x256xf32>
    %dot_general3A_48 = tpu.matmul %add3A_43, %get3A_46, %dot_general3A_47 {dimension_numbers = #tpu.dot_dimension_numbers<[1], [0], [0], [1], [0, 0, 1, 1], [], []>, transpose_lhs_hint = false} : vector<4096x64xf32>, vector<64x256xf32>, vector<4096x256xf32> -> vector<4096x256xf32>
    %get3A_49 = arith.constant 0 : index
    %get3A_50 = arith.constant 0 : index
    %get3A_51 = vector.load %arg13[%get3A_49, %get3A_50] : memref<1x256xf32, #tpu.memory_space<vmem>>, vector<1x256xf32>
    %add3A_52 = vector.broadcast %get3A_51 : vector<1x256xf32> to vector<4096x256xf32>
    %add3A_53 = arith.addf %dot_general3A_48, %add3A_52 : vector<4096x256xf32>
    %get3A_54 = arith.constant 0 : index
    %get3A_55 = arith.constant 0 : index
    %get3A_56 = vector.load %arg14[%get3A_54, %get3A_55] : memref<1x256xf32, #tpu.memory_space<vmem>>, vector<1x256xf32>
    %mul3A_57 = vector.broadcast %get3A_56 : vector<1x256xf32> to vector<4096x256xf32>
    %mul3A_58 = arith.mulf %add3A_53, %mul3A_57 : vector<4096x256xf32>
    %get3A_59 = arith.constant 0 : index
    %get3A_60 = arith.constant 0 : index
    %get3A_61 = vector.load %arg15[%get3A_59, %get3A_60] : memref<1x256xf32, #tpu.memory_space<vmem>>, vector<1x256xf32>
    %add3A_62 = vector.broadcast %get3A_61 : vector<1x256xf32> to vector<4096x256xf32>
    %add3A_63 = arith.addf %mul3A_58, %add3A_62 : vector<4096x256xf32>
    %max3A_64 = arith.constant 0.000000e+00 : f32
    %max3A_65 = vector.broadcast %max3A_64 : f32 to vector<4096x256xf32>
    %max3A_66 = arith.maximumf %add3A_63, %max3A_65 : vector<4096x256xf32>
    %get3A_67 = arith.constant 0 : index
    %get3A_68 = arith.constant 0 : index
    %get3A_69 = vector.load %arg16[%get3A_67, %get3A_68] : memref<256x128xf32, #tpu.memory_space<vmem>>, vector<256x128xf32>
    %dot_general3A_70 = arith.constant dense<0.000000e+00> : vector<4096x128xf32>
    %dot_general3A_71 = tpu.matmul %max3A_66, %get3A_69, %dot_general3A_70 {dimension_numbers = #tpu.dot_dimension_numbers<[1], [0], [0], [1], [0, 0, 1, 1], [], []>, transpose_lhs_hint = false} : vector<4096x256xf32>, vector<256x128xf32>, vector<4096x128xf32> -> vector<4096x128xf32>
    %get3A_72 = arith.constant 0 : index
    %get3A_73 = arith.constant 0 : index
    %get3A_74 = vector.load %arg17[%get3A_72, %get3A_73] : memref<1x128xf32, #tpu.memory_space<vmem>>, vector<1x128xf32>
    %add3A_75 = vector.broadcast %get3A_74 : vector<1x128xf32> to vector<4096x128xf32>
    %add3A_76 = arith.addf %dot_general3A_71, %add3A_75 : vector<4096x128xf32>
    %reduce_max3A = vector.shape_cast %add3A_76 : vector<4096x128xf32> to vector<1x4096x128xf32>
    %reduce_max3A_77 = arith.constant dense<0xFF800000> : vector<1xf32>
    %reduce_max3A_78 = vector.multi_reduction <maximumf>, %reduce_max3A, %reduce_max3A_77 [1, 2] : vector<1x4096x128xf32> to vector<1xf32>
    %reduce_max3A_79 = vector.shape_cast %reduce_max3A_78 : vector<1xf32> to vector<1x1x1xf32>
    %reduce_max3A_80 = vector.extract %reduce_max3A_79[0, 0, 0] : f32 from vector<1x1x1xf32>
    %sub3A_81 = vector.broadcast %reduce_max3A_80 : f32 to vector<4096x128xf32>
    %sub3A_82 = arith.subf %add3A_76, %sub3A_81 : vector<4096x128xf32>
    %exp3A = math.exp %sub3A_82 : vector<4096x128xf32>
    %get3A_83 = arith.constant 0 : index
    %get3A_84 = arith.constant 0 : index
    %get3A_85 = arith.constant 0 : index
    %get3A_86 = vector.load %arg4[%get3A_83, %get3A_84, %get3A_85] : memref<1x256x64xf32, #tpu.memory_space<vmem>>, vector<1x256x64xf32>
    %get3A_87 = vector.shape_cast %get3A_86 : vector<1x256x64xf32> to vector<256x64xf32>
    %broadcast_in_dim3A_88 = vector.shape_cast %get3A_87 : vector<256x64xf32> to vector<256x1x64xf32>
    %broadcast_in_dim3A_89 = vector.shape_cast %broadcast_in_dim3A_88 : vector<256x1x64xf32> to vector<256x1x64xf32>
    %broadcast_in_dim3A_90 = vector.broadcast %broadcast_in_dim3A_89 : vector<256x1x64xf32> to vector<256x16x64xf32>
    %reshape3A_91 = vector.shape_cast %broadcast_in_dim3A_90 : vector<256x16x64xf32> to vector<4096x64xf32>
    %add3A_92 = arith.addf %reshape3A_91, %add3A_41 : vector<4096x64xf32>
    %broadcast_in_dim3A_93 = arith.constant 1.000000e+00 : f32
    %broadcast_in_dim3A_94 = vector.broadcast %broadcast_in_dim3A_93 : f32 to vector<4096x64xf32>
    %concatenate3A_95 = tpu.concatenate %add3A_92, %broadcast_in_dim3A_94 in 1 : vector<4096x64xf32>, vector<4096x64xf32> -> vector<4096x128xf32>
    %mul3A_96 = arith.mulf %exp3A, %concatenate3A_95 : vector<4096x128xf32>
    %reshape3A_97 = vector.shape_cast %mul3A_96 : vector<4096x128xf32> to vector<256x16x128xf32>
    %reduce_sum3A = arith.constant dense<0.000000e+00> : vector<256x128xf32>
    %reduce_sum3A_98 = vector.multi_reduction <add>, %reshape3A_97, %reduce_sum3A [1] : vector<256x16x128xf32> to vector<256x128xf32>
    %slice3A_99 = vector.extract_strided_slice %reduce_sum3A_98 {offsets = [0, 0], sizes = [256, 64], strides = [1, 1]} : vector<256x128xf32> to vector<256x64xf32>
    %slice3A_100 = vector.extract_strided_slice %reduce_sum3A_98 {offsets = [0, 64], sizes = [256, 64], strides = [1, 1]} : vector<256x128xf32> to vector<256x64xf32>
    %div3A = arith.divf %slice3A_99, %slice3A_100 : vector<256x64xf32>
    %get3A_101 = arith.constant 0 : index
    %get3A_102 = arith.constant 0 : index
    %get3A_103 = vector.load %arg18[%get3A_101, %get3A_102] : memref<64x128xf32, #tpu.memory_space<vmem>>, vector<64x128xf32>
    %dot_general3A_104 = arith.constant dense<0.000000e+00> : vector<256x128xf32>
    %dot_general3A_105 = tpu.matmul %div3A, %get3A_103, %dot_general3A_104 {dimension_numbers = #tpu.dot_dimension_numbers<[1], [0], [0], [1], [0, 0, 1, 1], [], []>, transpose_lhs_hint = false} : vector<256x64xf32>, vector<64x128xf32>, vector<256x128xf32> -> vector<256x128xf32>
    %get3A_106 = arith.constant 0 : index
    %get3A_107 = arith.constant 0 : index
    %get3A_108 = vector.load %arg19[%get3A_106, %get3A_107] : memref<1x128xf32, #tpu.memory_space<vmem>>, vector<1x128xf32>
    %add3A_109 = vector.broadcast %get3A_108 : vector<1x128xf32> to vector<256x128xf32>
    %add3A_110 = arith.addf %dot_general3A_105, %add3A_109 : vector<256x128xf32>
    %get3A_111 = arith.constant 0 : index
    %get3A_112 = arith.constant 0 : index
    %get3A_113 = arith.constant 0 : index
    %get3A_114 = vector.load %arg6[%get3A_111, %get3A_112, %get3A_113] : memref<1x256x128xf32, #tpu.memory_space<vmem>>, vector<1x256x128xf32>
    %get3A_115 = vector.shape_cast %get3A_114 : vector<1x256x128xf32> to vector<256x128xf32>
    %add3A_116 = arith.addf %add3A_110, %get3A_115 : vector<256x128xf32>
    %swap3A = arith.constant 0 : index
    %swap3A_117 = arith.constant 0 : index
    %swap3A_118 = arith.constant 0 : index
    %swap3A_119 = vector.load %arg25[%swap3A, %swap3A_117, %swap3A_118] : memref<1x256x128xf32, #tpu.memory_space<vmem>>, vector<1x256x128xf32>
    %swap3A_120 = vector.shape_cast %swap3A_119 : vector<1x256x128xf32> to vector<256x128xf32>
    %swap3A_121 = vector.shape_cast %add3A_116 : vector<256x128xf32> to vector<1x256x128xf32>
    tpu.vector_store %arg25[%swap3A, %swap3A_117, %swap3A_118], %swap3A_121 {strides = array<i32>} : memref<1x256x128xf32, #tpu.memory_space<vmem>>, vector<1x256x128xf32>,
    %get3A_122 = arith.constant 0 : index
    %get3A_123 = arith.constant 0 : index
    %get3A_124 = vector.load %arg20[%get3A_122, %get3A_123] : memref<128x64xf32, #tpu.memory_space<vmem>>, vector<128x64xf32>
    %dot_general3A_125 = arith.constant dense<0.000000e+00> : vector<256x64xf32>
    %dot_general3A_126 = tpu.matmul %add3A_116, %get3A_124, %dot_general3A_125 {dimension_numbers = #tpu.dot_dimension_numbers<[1], [0], [0], [1], [0, 0, 1, 1], [], []>, transpose_lhs_hint = false} : vector<256x128xf32>, vector<128x64xf32>, vector<256x64xf32> -> vector<256x64xf32>
    %get3A_127 = arith.constant 0 : index
    %get3A_128 = arith.constant 0 : index
    %get3A_129 = vector.load %arg21[%get3A_127, %get3A_128] : memref<1x64xf32, #tpu.memory_space<vmem>>, vector<1x64xf32>
    %add3A_130 = vector.broadcast %get3A_129 : vector<1x64xf32> to vector<256x64xf32>
    %add3A_131 = arith.addf %dot_general3A_126, %add3A_130 : vector<256x64xf32>
    %max3A_132 = arith.constant 0.000000e+00 : f32
    %max3A_133 = vector.broadcast %max3A_132 : f32 to vector<256x64xf32>
    %max3A_134 = arith.maximumf %add3A_131, %max3A_133 : vector<256x64xf32>
    %get3A_135 = arith.constant 0 : index
    %get3A_136 = arith.constant 0 : index
    %get3A_137 = vector.load %arg22[%get3A_135, %get3A_136] : memref<64x32xf32, #tpu.memory_space<vmem>>, vector<64x32xf32>
    %dot_general3A_138 = arith.constant dense<0.000000e+00> : vector<256x32xf32>
    %dot_general3A_139 = tpu.matmul %max3A_134, %get3A_137, %dot_general3A_138 {dimension_numbers = #tpu.dot_dimension_numbers<[1], [0], [0], [1], [0, 0, 1, 1], [], []>, transpose_lhs_hint = false} : vector<256x64xf32>, vector<64x32xf32>, vector<256x32xf32> -> vector<256x32xf32>
    %get3A_140 = arith.constant 0 : index
    %get3A_141 = arith.constant 0 : index
    %get3A_142 = vector.load %arg23[%get3A_140, %get3A_141] : memref<1x32xf32, #tpu.memory_space<vmem>>, vector<1x32xf32>
    %add3A_143 = vector.broadcast %get3A_142 : vector<1x32xf32> to vector<256x32xf32>
    %add3A_144 = arith.addf %dot_general3A_139, %add3A_143 : vector<256x32xf32>
    %get3A_145 = arith.constant 0 : index
    %get3A_146 = arith.constant 0 : index
    %get3A_147 = vector.load %arg24[%get3A_145, %get3A_146] : memref<32x256xf32, #tpu.memory_space<vmem>>, vector<32x256xf32>
    %dot_general3A_148 = arith.constant dense<0.000000e+00> : vector<256x256xf32>
    %dot_general3A_149 = tpu.matmul %add3A_144, %get3A_147, %dot_general3A_148 {dimension_numbers = #tpu.dot_dimension_numbers<[1], [0], [0], [1], [0, 0, 1, 1], [], []>, transpose_lhs_hint = false} : vector<256x32xf32>, vector<32x256xf32>, vector<256x256xf32> -> vector<256x256xf32>
    %reshape3A_150 = vector.shape_cast %dot_general3A_149 : vector<256x256xf32> to vector<512x128xf32>
    %swap3A_151 = arith.constant 0 : index
    %swap3A_152 = arith.constant 0 : index
    %swap3A_153 = arith.constant 0 : index
    %swap3A_154 = vector.load %arg26[%swap3A_151, %swap3A_152, %swap3A_153] : memref<1x512x128xf32, #tpu.memory_space<vmem>>, vector<1x512x128xf32>
    %swap3A_155 = vector.shape_cast %swap3A_154 : vector<1x512x128xf32> to vector<512x128xf32>
    %swap3A_156 = vector.shape_cast %reshape3A_150 : vector<512x128xf32> to vector<1x512x128xf32>
    tpu.vector_store %arg26[%swap3A_151, %swap3A_152, %swap3A_153], %swap3A_156 {strides = array<i32>} : memref<1x512x128xf32, #tpu.memory_space<vmem>>, vector<1x512x128xf32>,
    return
  }
  func.func @transform_0(%arg0: i32, %arg1: i32) -> (i32, i32, i32) {
    %c0_i32 = arith.constant 0 : i32
    %c0_i32_0 = arith.constant 0 : i32
    return %arg0, %arg1, %c0_i32 : i32, i32, i32
  }
  func.func @transform_1(%arg0: i32, %arg1: i32) -> (i32, i32, i32) {
    %c0_i32 = arith.constant 0 : i32
    %c0_i32_0 = arith.constant 0 : i32
    return %arg0, %arg1, %c0_i32 : i32, i32, i32
  }
  func.func @transform_2(%arg0: i32, %arg1: i32) -> (i32, i32, i32) {
    %c0_i32 = arith.constant 0 : i32
    %c0_i32_0 = arith.constant 0 : i32
    return %arg0, %arg1, %c0_i32 : i32, i32, i32
  }
  func.func @transform_3(%arg0: i32, %arg1: i32) -> (i32, i32, i32) {
    %c0_i32 = arith.constant 0 : i32
    %c0_i32_0 = arith.constant 0 : i32
    return %arg0, %arg1, %c0_i32 : i32, i32, i32
  }
  func.func @transform_4(%arg0: i32, %arg1: i32) -> (i32, i32, i32) {
    %c0_i32 = arith.constant 0 : i32
    %c0_i32_0 = arith.constant 0 : i32
    return %arg0, %arg1, %c0_i32 : i32, i32, i32
  }
  func.func @transform_5(%arg0: i32, %arg1: i32) -> (i32, i32) {
    %c0_i32 = arith.constant 0 : i32
    %c0_i32_0 = arith.constant 0 : i32
    %c0_i32_1 = arith.constant 0 : i32
    return %c0_i32, %c0_i32_0 : i32, i32
  }
  func.func @transform_6(%arg0: i32, %arg1: i32) -> (i32, i32) {
    %c0_i32 = arith.constant 0 : i32
    %c0_i32_0 = arith.constant 0 : i32
    %c0_i32_1 = arith.constant 0 : i32
    return %c0_i32, %c0_i32_0 : i32, i32
  }
  func.func @transform_7(%arg0: i32, %arg1: i32) -> (i32, i32) {
    %c0_i32 = arith.constant 0 : i32
    %c0_i32_0 = arith.constant 0 : i32
    %c0_i32_1 = arith.constant 0 : i32
    return %c0_i32, %c0_i32_0 : i32, i32
  }
  func.func @transform_8(%arg0: i32, %arg1: i32) -> (i32, i32) {
    %c0_i32 = arith.constant 0 : i32
    %c0_i32_0 = arith.constant 0 : i32
    %c0_i32_1 = arith.constant 0 : i32
    return %c0_i32, %c0_i32_0 : i32, i32
  }
  func.func @transform_9(%arg0: i32, %arg1: i32) -> (i32, i32) {
    %c0_i32 = arith.constant 0 : i32
    %c0_i32_0 = arith.constant 0 : i32
    %c0_i32_1 = arith.constant 0 : i32
    return %c0_i32, %c0_i32_0 : i32, i32
  }
  func.func @transform_10(%arg0: i32, %arg1: i32) -> (i32, i32) {
    %c0_i32 = arith.constant 0 : i32
    %c0_i32_0 = arith.constant 0 : i32
    %c0_i32_1 = arith.constant 0 : i32
    return %c0_i32, %c0_i32_0 : i32, i32
  }
  func.func @transform_11(%arg0: i32, %arg1: i32) -> (i32, i32) {
    %c0_i32 = arith.constant 0 : i32
    %c0_i32_0 = arith.constant 0 : i32
    %c0_i32_1 = arith.constant 0 : i32
    return %c0_i32, %c0_i32_0 : i32, i32
  }
  func.func @transform_12(%arg0: i32, %arg1: i32) -> (i32, i32) {
    %c0_i32 = arith.constant 0 : i32
    %c0_i32_0 = arith.constant 0 : i32
    %c0_i32_1 = arith.constant 0 : i32
    return %c0_i32, %c0_i32_0 : i32, i32
  }
  func.func @transform_13(%arg0: i32, %arg1: i32) -> (i32, i32) {
    %c0_i32 = arith.constant 0 : i32
    %c0_i32_0 = arith.constant 0 : i32
    %c0_i32_1 = arith.constant 0 : i32
    return %c0_i32, %c0_i32_0 : i32, i32
  }
  func.func @transform_14(%arg0: i32, %arg1: i32) -> (i32, i32) {
    %c0_i32 = arith.constant 0 : i32
    %c0_i32_0 = arith.constant 0 : i32
    %c0_i32_1 = arith.constant 0 : i32
    return %c0_i32, %c0_i32_0 : i32, i32
  }
  func.func @transform_15(%arg0: i32, %arg1: i32) -> (i32, i32) {
    %c0_i32 = arith.constant 0 : i32
    %c0_i32_0 = arith.constant 0 : i32
    %c0_i32_1 = arith.constant 0 : i32
    return %c0_i32, %c0_i32_0 : i32, i32
  }
  func.func @transform_16(%arg0: i32, %arg1: i32) -> (i32, i32) {
    %c0_i32 = arith.constant 0 : i32
    %c0_i32_0 = arith.constant 0 : i32
    %c0_i32_1 = arith.constant 0 : i32
    return %c0_i32, %c0_i32_0 : i32, i32
  }
  func.func @transform_17(%arg0: i32, %arg1: i32) -> (i32, i32) {
    %c0_i32 = arith.constant 0 : i32
    %c0_i32_0 = arith.constant 0 : i32
    %c0_i32_1 = arith.constant 0 : i32
    return %c0_i32, %c0_i32_0 : i32, i32
  }
  func.func @transform_18(%arg0: i32, %arg1: i32) -> (i32, i32) {
    %c0_i32 = arith.constant 0 : i32
    %c0_i32_0 = arith.constant 0 : i32
    %c0_i32_1 = arith.constant 0 : i32
    return %c0_i32, %c0_i32_0 : i32, i32
  }
  func.func @transform_19(%arg0: i32, %arg1: i32) -> (i32, i32) {
    %c0_i32 = arith.constant 0 : i32
    %c0_i32_0 = arith.constant 0 : i32
    %c0_i32_1 = arith.constant 0 : i32
    return %c0_i32, %c0_i32_0 : i32, i32
  }
  func.func @transform_20(%arg0: i32, %arg1: i32) -> (i32, i32) {
    %c0_i32 = arith.constant 0 : i32
    %c0_i32_0 = arith.constant 0 : i32
    %c0_i32_1 = arith.constant 0 : i32
    return %c0_i32, %c0_i32_0 : i32, i32
  }
  func.func @transform_21(%arg0: i32, %arg1: i32) -> (i32, i32) {
    %c0_i32 = arith.constant 0 : i32
    %c0_i32_0 = arith.constant 0 : i32
    %c0_i32_1 = arith.constant 0 : i32
    return %c0_i32, %c0_i32_0 : i32, i32
  }
  func.func @transform_22(%arg0: i32, %arg1: i32) -> (i32, i32) {
    %c0_i32 = arith.constant 0 : i32
    %c0_i32_0 = arith.constant 0 : i32
    %c0_i32_1 = arith.constant 0 : i32
    return %c0_i32, %c0_i32_0 : i32, i32
  }
  func.func @transform_23(%arg0: i32, %arg1: i32) -> (i32, i32, i32) {
    %c0_i32 = arith.constant 0 : i32
    %c0_i32_0 = arith.constant 0 : i32
    return %arg0, %arg1, %c0_i32 : i32, i32, i32
  }
  func.func @transform_24(%arg0: i32, %arg1: i32) -> (i32, i32, i32) {
    %c0_i32 = arith.constant 0 : i32
    %c0_i32_0 = arith.constant 0 : i32
    return %arg0, %arg1, %c0_i32 : i32, i32, i32
  }
}

module attributes {stable_mosaic.version = 14 : i64} {
  func.func @_fin_body(%arg0: i32, %arg1: i32, %arg2: memref<1x512x128xf32, #tpu.memory_space<vmem>>, %arg3: memref<1x256x128xf32, #tpu.memory_space<vmem>>, %arg4: memref<1x256x8xf32, #tpu.memory_space<vmem>>, %arg5: memref<128x128xf32, #tpu.memory_space<vmem>>, %arg6: memref<128x128xf32, #tpu.memory_space<vmem>>, %arg7: memref<1x128xf32, #tpu.memory_space<vmem>>, %arg8: memref<128x128xf32, #tpu.memory_space<vmem>>, %arg9: memref<128x128xf32, #tpu.memory_space<vmem>>, %arg10: memref<1x128xf32, #tpu.memory_space<vmem>>, %arg11: memref<128x128xf32, #tpu.memory_space<vmem>>, %arg12: memref<1x128xf32, #tpu.memory_space<vmem>>, %arg13: memref<128x64xf32, #tpu.memory_space<vmem>>, %arg14: memref<1x64xf32, #tpu.memory_space<vmem>>, %arg15: memref<64x8xf32, #tpu.memory_space<vmem>>, %arg16: memref<1x8xf32, #tpu.memory_space<vmem>>, %arg17: memref<1x128x512xf32, #tpu.memory_space<vmem>>, %arg18: memref<1x8x512xf32, #tpu.memory_space<vmem>>) attributes {dimension_semantics = [#tpu.dimension_semantics<arbitrary>, #tpu.dimension_semantics<arbitrary>], iteration_bounds = array<i64: 4, 8>, scalar_prefetch = 0 : i64, scratch_operands = 0 : i64, tpu.core_type = #tpu.core_type<tc>, window_params = [{transform_indices = @transform_0, window_bounds = array<i64: 1, 512, 128>}, {transform_indices = @transform_1, window_bounds = array<i64: 1, 256, 128>}, {transform_indices = @transform_2, window_bounds = array<i64: 1, 256, 8>}, {pipeline_mode = #tpu.pipeline_mode<synchronous>, transform_indices = @transform_3, window_bounds = array<i64: 128, 128>}, {pipeline_mode = #tpu.pipeline_mode<synchronous>, transform_indices = @transform_4, window_bounds = array<i64: 128, 128>}, {pipeline_mode = #tpu.pipeline_mode<synchronous>, transform_indices = @transform_5, window_bounds = array<i64: 1, 128>}, {pipeline_mode = #tpu.pipeline_mode<synchronous>, transform_indices = @transform_6, window_bounds = array<i64: 128, 128>}, {pipeline_mode = #tpu.pipeline_mode<synchronous>, transform_indices = @transform_7, window_bounds = array<i64: 128, 128>}, {pipeline_mode = #tpu.pipeline_mode<synchronous>, transform_indices = @transform_8, window_bounds = array<i64: 1, 128>}, {pipeline_mode = #tpu.pipeline_mode<synchronous>, transform_indices = @transform_9, window_bounds = array<i64: 128, 128>}, {pipeline_mode = #tpu.pipeline_mode<synchronous>, transform_indices = @transform_10, window_bounds = array<i64: 1, 128>}, {pipeline_mode = #tpu.pipeline_mode<synchronous>, transform_indices = @transform_11, window_bounds = array<i64: 128, 64>}, {pipeline_mode = #tpu.pipeline_mode<synchronous>, transform_indices = @transform_12, window_bounds = array<i64: 1, 64>}, {pipeline_mode = #tpu.pipeline_mode<synchronous>, transform_indices = @transform_13, window_bounds = array<i64: 64, 8>}, {pipeline_mode = #tpu.pipeline_mode<synchronous>, transform_indices = @transform_14, window_bounds = array<i64: 1, 8>}, {transform_indices = @transform_15, window_bounds = array<i64: 1, 128, 512>}, {transform_indices = @transform_16, window_bounds = array<i64: 1, 8, 512>}]} {
    %get3A = arith.constant 0 : index
    %get3A_0 = arith.constant 0 : index
    %get3A_1 = arith.constant 0 : index
    %get3A_2 = vector.load %arg2[%get3A, %get3A_0, %get3A_1] : memref<1x512x128xf32, #tpu.memory_space<vmem>>, vector<1x512x128xf32>
    %get3A_3 = vector.shape_cast %get3A_2 : vector<1x512x128xf32> to vector<512x128xf32>
    %get3A_4 = arith.constant 0 : index
    %get3A_5 = arith.constant 0 : index
    %get3A_6 = arith.constant 0 : index
    %get3A_7 = vector.load %arg3[%get3A_4, %get3A_5, %get3A_6] : memref<1x256x128xf32, #tpu.memory_space<vmem>>, vector<1x256x128xf32>
    %get3A_8 = vector.shape_cast %get3A_7 : vector<1x256x128xf32> to vector<256x128xf32>
    %broadcast_in_dim3A = vector.shape_cast %get3A_8 : vector<256x128xf32> to vector<256x1x128xf32>
    %broadcast_in_dim3A_9 = vector.shape_cast %broadcast_in_dim3A : vector<256x1x128xf32> to vector<256x1x128xf32>
    %broadcast_in_dim3A_10 = vector.broadcast %broadcast_in_dim3A_9 : vector<256x1x128xf32> to vector<256x2x128xf32>
    %reshape3A = vector.shape_cast %broadcast_in_dim3A_10 : vector<256x2x128xf32> to vector<512x128xf32>
    %get3A_11 = arith.constant 0 : index
    %get3A_12 = arith.constant 0 : index
    %get3A_13 = vector.load %arg5[%get3A_11, %get3A_12] : memref<128x128xf32, #tpu.memory_space<vmem>>, vector<128x128xf32>
    %dot_general3A = arith.constant dense<0.000000e+00> : vector<512x128xf32>
    %dot_general3A_14 = tpu.matmul %get3A_3, %get3A_13, %dot_general3A {dimension_numbers = #tpu.dot_dimension_numbers<[1], [0], [0], [1], [0, 0, 1, 1], [], []>, transpose_lhs_hint = false} : vector<512x128xf32>, vector<128x128xf32>, vector<512x128xf32> -> vector<512x128xf32>
    %get3A_15 = arith.constant 0 : index
    %get3A_16 = arith.constant 0 : index
    %get3A_17 = vector.load %arg6[%get3A_15, %get3A_16] : memref<128x128xf32, #tpu.memory_space<vmem>>, vector<128x128xf32>
    %dot_general3A_18 = arith.constant dense<0.000000e+00> : vector<512x128xf32>
    %dot_general3A_19 = tpu.matmul %reshape3A, %get3A_17, %dot_general3A_18 {dimension_numbers = #tpu.dot_dimension_numbers<[1], [0], [0], [1], [0, 0, 1, 1], [], []>, transpose_lhs_hint = false} : vector<512x128xf32>, vector<128x128xf32>, vector<512x128xf32> -> vector<512x128xf32>
    %add3A = arith.addf %dot_general3A_14, %dot_general3A_19 : vector<512x128xf32>
    %get3A_20 = arith.constant 0 : index
    %get3A_21 = arith.constant 0 : index
    %get3A_22 = vector.load %arg7[%get3A_20, %get3A_21] : memref<1x128xf32, #tpu.memory_space<vmem>>, vector<1x128xf32>
    %add3A_23 = vector.broadcast %get3A_22 : vector<1x128xf32> to vector<512x128xf32>
    %add3A_24 = arith.addf %add3A, %add3A_23 : vector<512x128xf32>
    %get3A_25 = arith.constant 0 : index
    %get3A_26 = arith.constant 0 : index
    %get3A_27 = vector.load %arg8[%get3A_25, %get3A_26] : memref<128x128xf32, #tpu.memory_space<vmem>>, vector<128x128xf32>
    %dot_general3A_28 = arith.constant dense<0.000000e+00> : vector<512x128xf32>
    %dot_general3A_29 = tpu.matmul %get3A_3, %get3A_27, %dot_general3A_28 {dimension_numbers = #tpu.dot_dimension_numbers<[1], [0], [0], [1], [0, 0, 1, 1], [], []>, transpose_lhs_hint = false} : vector<512x128xf32>, vector<128x128xf32>, vector<512x128xf32> -> vector<512x128xf32>
    %get3A_30 = arith.constant 0 : index
    %get3A_31 = arith.constant 0 : index
    %get3A_32 = vector.load %arg9[%get3A_30, %get3A_31] : memref<128x128xf32, #tpu.memory_space<vmem>>, vector<128x128xf32>
    %dot_general3A_33 = arith.constant dense<0.000000e+00> : vector<512x128xf32>
    %dot_general3A_34 = tpu.matmul %reshape3A, %get3A_32, %dot_general3A_33 {dimension_numbers = #tpu.dot_dimension_numbers<[1], [0], [0], [1], [0, 0, 1, 1], [], []>, transpose_lhs_hint = false} : vector<512x128xf32>, vector<128x128xf32>, vector<512x128xf32> -> vector<512x128xf32>
    %add3A_35 = arith.addf %dot_general3A_29, %dot_general3A_34 : vector<512x128xf32>
    %get3A_36 = arith.constant 0 : index
    %get3A_37 = arith.constant 0 : index
    %get3A_38 = vector.load %arg10[%get3A_36, %get3A_37] : memref<1x128xf32, #tpu.memory_space<vmem>>, vector<1x128xf32>
    %add3A_39 = vector.broadcast %get3A_38 : vector<1x128xf32> to vector<512x128xf32>
    %add3A_40 = arith.addf %add3A_35, %add3A_39 : vector<512x128xf32>
    %max3A = arith.constant 0.000000e+00 : f32
    %max3A_41 = vector.broadcast %max3A : f32 to vector<512x128xf32>
    %max3A_42 = arith.maximumf %add3A_40, %max3A_41 : vector<512x128xf32>
    %get3A_43 = arith.constant 0 : index
    %get3A_44 = arith.constant 0 : index
    %get3A_45 = vector.load %arg11[%get3A_43, %get3A_44] : memref<128x128xf32, #tpu.memory_space<vmem>>, vector<128x128xf32>
    %dot_general3A_46 = arith.constant dense<0.000000e+00> : vector<512x128xf32>
    %dot_general3A_47 = tpu.matmul %max3A_42, %get3A_45, %dot_general3A_46 {dimension_numbers = #tpu.dot_dimension_numbers<[1], [0], [0], [1], [0, 0, 1, 1], [], []>, transpose_lhs_hint = false} : vector<512x128xf32>, vector<128x128xf32>, vector<512x128xf32> -> vector<512x128xf32>
    %get3A_48 = arith.constant 0 : index
    %get3A_49 = arith.constant 0 : index
    %get3A_50 = vector.load %arg12[%get3A_48, %get3A_49] : memref<1x128xf32, #tpu.memory_space<vmem>>, vector<1x128xf32>
    %add3A_51 = vector.broadcast %get3A_50 : vector<1x128xf32> to vector<512x128xf32>
    %add3A_52 = arith.addf %dot_general3A_47, %add3A_51 : vector<512x128xf32>
    %add3A_53 = arith.addf %add3A_52, %add3A_24 : vector<512x128xf32>
    %transpose3A = tpu.transpose %add3A_53, [1, 0] : vector<512x128xf32> -> vector<128x512xf32>
    %swap3A = arith.constant 0 : index
    %swap3A_54 = arith.constant 0 : index
    %swap3A_55 = arith.constant 0 : index
    %swap3A_56 = vector.load %arg17[%swap3A, %swap3A_54, %swap3A_55] : memref<1x128x512xf32, #tpu.memory_space<vmem>>, vector<1x128x512xf32>
    %swap3A_57 = vector.shape_cast %swap3A_56 : vector<1x128x512xf32> to vector<128x512xf32>
    %swap3A_58 = vector.shape_cast %transpose3A : vector<128x512xf32> to vector<1x128x512xf32>
    tpu.vector_store %arg17[%swap3A, %swap3A_54, %swap3A_55], %swap3A_58 {strides = array<i32>} : memref<1x128x512xf32, #tpu.memory_space<vmem>>, vector<1x128x512xf32>,
    %max3A_59 = arith.constant 0.000000e+00 : f32
    %max3A_60 = vector.broadcast %max3A_59 : f32 to vector<512x128xf32>
    %max3A_61 = arith.maximumf %add3A_53, %max3A_60 : vector<512x128xf32>
    %get3A_62 = arith.constant 0 : index
    %get3A_63 = arith.constant 0 : index
    %get3A_64 = vector.load %arg13[%get3A_62, %get3A_63] : memref<128x64xf32, #tpu.memory_space<vmem>>, vector<128x64xf32>
    %dot_general3A_65 = arith.constant dense<0.000000e+00> : vector<512x64xf32>
    %dot_general3A_66 = tpu.matmul %max3A_61, %get3A_64, %dot_general3A_65 {dimension_numbers = #tpu.dot_dimension_numbers<[1], [0], [0], [1], [0, 0, 1, 1], [], []>, transpose_lhs_hint = false} : vector<512x128xf32>, vector<128x64xf32>, vector<512x64xf32> -> vector<512x64xf32>
    %get3A_67 = arith.constant 0 : index
    %get3A_68 = arith.constant 0 : index
    %get3A_69 = vector.load %arg14[%get3A_67, %get3A_68] : memref<1x64xf32, #tpu.memory_space<vmem>>, vector<1x64xf32>
    %add3A_70 = vector.broadcast %get3A_69 : vector<1x64xf32> to vector<512x64xf32>
    %add3A_71 = arith.addf %dot_general3A_66, %add3A_70 : vector<512x64xf32>
    %max3A_72 = arith.constant 0.000000e+00 : f32
    %max3A_73 = vector.broadcast %max3A_72 : f32 to vector<512x64xf32>
    %max3A_74 = arith.maximumf %add3A_71, %max3A_73 : vector<512x64xf32>
    %get3A_75 = arith.constant 0 : index
    %get3A_76 = arith.constant 0 : index
    %get3A_77 = vector.load %arg15[%get3A_75, %get3A_76] : memref<64x8xf32, #tpu.memory_space<vmem>>, vector<64x8xf32>
    %dot_general3A_78 = arith.constant dense<0.000000e+00> : vector<512x8xf32>
    %dot_general3A_79 = tpu.matmul %max3A_74, %get3A_77, %dot_general3A_78 {dimension_numbers = #tpu.dot_dimension_numbers<[1], [0], [0], [1], [0, 0, 1, 1], [], []>, transpose_lhs_hint = false} : vector<512x64xf32>, vector<64x8xf32>, vector<512x8xf32> -> vector<512x8xf32>
    %get3A_80 = arith.constant 0 : index
    %get3A_81 = arith.constant 0 : index
    %get3A_82 = vector.load %arg16[%get3A_80, %get3A_81] : memref<1x8xf32, #tpu.memory_space<vmem>>, vector<1x8xf32>
    %add3A_83 = vector.broadcast %get3A_82 : vector<1x8xf32> to vector<512x8xf32>
    %add3A_84 = arith.addf %dot_general3A_79, %add3A_83 : vector<512x8xf32>
    %get3A_85 = arith.constant 0 : index
    %get3A_86 = arith.constant 0 : index
    %get3A_87 = arith.constant 0 : index
    %get3A_88 = vector.load %arg4[%get3A_85, %get3A_86, %get3A_87] : memref<1x256x8xf32, #tpu.memory_space<vmem>>, vector<1x256x8xf32>
    %get3A_89 = vector.shape_cast %get3A_88 : vector<1x256x8xf32> to vector<256x8xf32>
    %broadcast_in_dim3A_90 = vector.shape_cast %get3A_89 : vector<256x8xf32> to vector<256x1x8xf32>
    %broadcast_in_dim3A_91 = vector.shape_cast %broadcast_in_dim3A_90 : vector<256x1x8xf32> to vector<256x1x8xf32>
    %broadcast_in_dim3A_92 = vector.broadcast %broadcast_in_dim3A_91 : vector<256x1x8xf32> to vector<256x2x8xf32>
    %reshape3A_93 = vector.shape_cast %broadcast_in_dim3A_92 : vector<256x2x8xf32> to vector<512x8xf32>
    %tanh3A = math.tanh %add3A_84 : vector<512x8xf32>
    %add3A_94 = arith.addf %reshape3A_93, %tanh3A : vector<512x8xf32>
    %transpose3A_95 = tpu.transpose %add3A_94, [1, 0] : vector<512x8xf32> -> vector<8x512xf32>
    %swap3A_96 = arith.constant 0 : index
    %swap3A_97 = arith.constant 0 : index
    %swap3A_98 = arith.constant 0 : index
    %swap3A_99 = vector.load %arg18[%swap3A_96, %swap3A_97, %swap3A_98] : memref<1x8x512xf32, #tpu.memory_space<vmem>>, vector<1x8x512xf32>
    %swap3A_100 = vector.shape_cast %swap3A_99 : vector<1x8x512xf32> to vector<8x512xf32>
    %swap3A_101 = vector.shape_cast %transpose3A_95 : vector<8x512xf32> to vector<1x8x512xf32>
    tpu.vector_store %arg18[%swap3A_96, %swap3A_97, %swap3A_98], %swap3A_101 {strides = array<i32>} : memref<1x8x512xf32, #tpu.memory_space<vmem>>, vector<1x8x512xf32>,
    return
  }
  func.func @transform_0(%arg0: i32, %arg1: i32) -> (i32, i32, i32) {
    %c0_i32 = arith.constant 0 : i32
    %c0_i32_0 = arith.constant 0 : i32
    return %arg0, %arg1, %c0_i32 : i32, i32, i32
  }
  func.func @transform_1(%arg0: i32, %arg1: i32) -> (i32, i32, i32) {
    %c0_i32 = arith.constant 0 : i32
    %c0_i32_0 = arith.constant 0 : i32
    return %arg0, %arg1, %c0_i32 : i32, i32, i32
  }
  func.func @transform_2(%arg0: i32, %arg1: i32) -> (i32, i32, i32) {
    %c0_i32 = arith.constant 0 : i32
    %c0_i32_0 = arith.constant 0 : i32
    return %arg0, %arg1, %c0_i32 : i32, i32, i32
  }
  func.func @transform_3(%arg0: i32, %arg1: i32) -> (i32, i32) {
    %c0_i32 = arith.constant 0 : i32
    %c0_i32_0 = arith.constant 0 : i32
    %c0_i32_1 = arith.constant 0 : i32
    return %c0_i32, %c0_i32_0 : i32, i32
  }
  func.func @transform_4(%arg0: i32, %arg1: i32) -> (i32, i32) {
    %c0_i32 = arith.constant 0 : i32
    %c0_i32_0 = arith.constant 0 : i32
    %c0_i32_1 = arith.constant 0 : i32
    return %c0_i32, %c0_i32_0 : i32, i32
  }
  func.func @transform_5(%arg0: i32, %arg1: i32) -> (i32, i32) {
    %c0_i32 = arith.constant 0 : i32
    %c0_i32_0 = arith.constant 0 : i32
    %c0_i32_1 = arith.constant 0 : i32
    return %c0_i32, %c0_i32_0 : i32, i32
  }
  func.func @transform_6(%arg0: i32, %arg1: i32) -> (i32, i32) {
    %c0_i32 = arith.constant 0 : i32
    %c0_i32_0 = arith.constant 0 : i32
    %c0_i32_1 = arith.constant 0 : i32
    return %c0_i32, %c0_i32_0 : i32, i32
  }
  func.func @transform_7(%arg0: i32, %arg1: i32) -> (i32, i32) {
    %c0_i32 = arith.constant 0 : i32
    %c0_i32_0 = arith.constant 0 : i32
    %c0_i32_1 = arith.constant 0 : i32
    return %c0_i32, %c0_i32_0 : i32, i32
  }
  func.func @transform_8(%arg0: i32, %arg1: i32) -> (i32, i32) {
    %c0_i32 = arith.constant 0 : i32
    %c0_i32_0 = arith.constant 0 : i32
    %c0_i32_1 = arith.constant 0 : i32
    return %c0_i32, %c0_i32_0 : i32, i32
  }
  func.func @transform_9(%arg0: i32, %arg1: i32) -> (i32, i32) {
    %c0_i32 = arith.constant 0 : i32
    %c0_i32_0 = arith.constant 0 : i32
    %c0_i32_1 = arith.constant 0 : i32
    return %c0_i32, %c0_i32_0 : i32, i32
  }
  func.func @transform_10(%arg0: i32, %arg1: i32) -> (i32, i32) {
    %c0_i32 = arith.constant 0 : i32
    %c0_i32_0 = arith.constant 0 : i32
    %c0_i32_1 = arith.constant 0 : i32
    return %c0_i32, %c0_i32_0 : i32, i32
  }
  func.func @transform_11(%arg0: i32, %arg1: i32) -> (i32, i32) {
    %c0_i32 = arith.constant 0 : i32
    %c0_i32_0 = arith.constant 0 : i32
    %c0_i32_1 = arith.constant 0 : i32
    return %c0_i32, %c0_i32_0 : i32, i32
  }
  func.func @transform_12(%arg0: i32, %arg1: i32) -> (i32, i32) {
    %c0_i32 = arith.constant 0 : i32
    %c0_i32_0 = arith.constant 0 : i32
    %c0_i32_1 = arith.constant 0 : i32
    return %c0_i32, %c0_i32_0 : i32, i32
  }
  func.func @transform_13(%arg0: i32, %arg1: i32) -> (i32, i32) {
    %c0_i32 = arith.constant 0 : i32
    %c0_i32_0 = arith.constant 0 : i32
    %c0_i32_1 = arith.constant 0 : i32
    return %c0_i32, %c0_i32_0 : i32, i32
  }
  func.func @transform_14(%arg0: i32, %arg1: i32) -> (i32, i32) {
    %c0_i32 = arith.constant 0 : i32
    %c0_i32_0 = arith.constant 0 : i32
    %c0_i32_1 = arith.constant 0 : i32
    return %c0_i32, %c0_i32_0 : i32, i32
  }
  func.func @transform_15(%arg0: i32, %arg1: i32) -> (i32, i32, i32) {
    %c0_i32 = arith.constant 0 : i32
    %c0_i32_0 = arith.constant 0 : i32
    return %arg0, %c0_i32, %arg1 : i32, i32, i32
  }
  func.func @transform_16(%arg0: i32, %arg1: i32) -> (i32, i32, i32) {
    %c0_i32 = arith.constant 0 : i32
    %c0_i32_0 = arith.constant 0 : i32
    return %arg0, %c0_i32, %arg1 : i32, i32, i32
  }
}

</mosaic_0001>

<sc_bundles>
// kernel: kernel.13.cloned.1.call-start
scs
__scs_entry_jumppad:
0x0: {  	(pc) =	sbr.rel $0x88, $3  }
0x1: {  	(tag) =	ssettag $0x0;
	lr =	simm.s32 $0x1  }
0x2: {  	[smem:$0x3F5B] =	sst lr;
	_ =	strace $0xD0000000  }
0x3: {  	_ = 	snop  }
0x4: {  	_ = 	snop  }
0x5: {  	_ = 	snop  }
0x6: {  	_ = 	snop  }
0x7: {  	_ = 	snop  }
__scs_overlays_trampoline_lowered:
0x8: {  	[smem:$0x3F6A] =	sst s0  }
0x9: {  	[smem:$0x3F6B] =	sst s1  }
0xa: {  	[smem:$0x3F6C] =	sst s2  }
0xb: {  	[smem:$0x3F6D] =	sst s3  }
0xc: {  	[smem:$0x3F6E] =	sst s4  }
0xd: {  	[smem:$0x3F6F] =	sst s5  }
0xe: {  	[smem:$0x3F70] =	sst s6  }
0xf: {  	[smem:$0x3F71] =	sst s7  }
0x10: {  	[smem:$0x3F72] =	sst s8  }
0x11: {  	[smem:$0x3F73] =	sst s9;
	s0 =	simm.s32 @!p0 $0x0  }
0x12: {  	s1 =	sld [smem:$0x3F59];
	s0 =	simm.s32 @p0 $0x1  }
0x13: {  	[smem:$0x3F74] =	sst s0;
	s0 =	simm.s32 @!p1 $0x0  }
0x14: {  	s2 =	sld [smem:$0x3F58];
	s0 =	simm.s32 @p1 $0x1  }
0x15: {  	[smem:$0x3F75] =	sst s0;
	s0 =	simm.s32 @!p2 $0x0  }
0x16: {  	s3 =	sld [smem:$0x3FDB];
	s0 =	simm.s32 @p2 $0x1  }
0x17: {  	s4 =	simm.s32 $0x1BF5;
	[smem:$0x3F77] =	sst s0  }
0x18: {  	s0 =	sld [smem:$0x3F5A];
	_ =	swait.ge [sflag:s4], $0x0  }
0x19: {  	s7 =	sld [smem:$0x3F5B]  }
0x1a: {  	s8 =	sadd.s32 $0xFFFFE003, lr  }
0x1b: {  	s9 =	sadd.s32 $0xFFFFFEF7, lr;
	s5 =	simm.s32 $0xFFFFFFFF;
	p2 =	slt.u32 s8, $0xFFFFF086  }
0x1c: {  	p1 =	slt.u32 s9, $0xF7A;
	s5 =	simm.s32 @!p2 $0x0  }
0x1d: {  	s5 =	simm.s32 @p1 $0x1;
	p0 =	seq.s32 s7, s2  }
0x1e: {  	s7 =	smul.u32 @!p0 $0xF7A, s2;
	p2 =	seq.s32 @!p0 s5, $0x0  }
0x1f: {  	s9 =	smul.u32 $0xF7A, s1;
	s8 =	simm.s32 @!p0 $0x1BF5;
	p2 =	por !p2, p0  }
0x20: {  	[sflag:s8] =	ssyncset.s32 @!p0 $0xFFFFF086;
	s6 =	sadd.s32 @!p0 s3, s7;
	s7 =	simm.s32 @!p0 $0x108  }
0x21: {  	s3 =	sadd.s32 s3, s9;
	s6 =	sadd.s32 @!p0 $0x88, s6;
	s7 =	simm.s32 @p2 $0x1082  }
0x22: {  	[simem:s7], [sflag:s8] =	dma.local @!p0 [hbm:s6], $0xF7A  }
0x23: {  	s9 =	sor.u32 $0xD0000000, s2;
	s6 =	simm.s32 $0x108;
	_ =	swait.ge @!p0 [sflag:s8], $0x0  }
0x24: {  	s3 =	sadd.s32 $0x88, s3;
	s6 =	simm.s32 @!p1 $0x1082;
	[sflag:s4] =	ssyncset.s32 $0xFFFFF086  }
0x25: {  	[simem:s6], [sflag:s4] =	dma.local [hbm:s3], $0xF7A  }
0x26: {  	[smem:$0x3F5B] =	sst s1;
	(tag) =	ssettag s2;
	_ =	strace s9  }
0x27: {  	s1 =	sld [smem:$0x3F6B]  }
0x28: {  	s2 =	sld [smem:$0x3F6C]  }
0x29: {  	s4 =	sld [smem:$0x3F6E]  }
0x2a: {  	p0 =	seq.s32 s5, $0x0;
	s5 =	sld [smem:$0x3F6F]  }
0x2b: {  	s6 =	sld [smem:$0x3F70]  }
0x2c: {  	s7 =	sld [smem:$0x3F71]  }
0x2d: {  	s3 =	simm.s32 $0x108;
	s8 =	sld [smem:$0x3F72]  }
0x2e: {  	s3 =	simm.s32 @!p0 $0x1082;
	s9 =	sld [smem:$0x3F73]  }
0x2f: {  	lr =	sadd.s32 s0, s3;
	s0 =	sld [smem:$0x3F6A]  }
0x30: {  	s3 =	sld [smem:$0x3F6D]  }
0x31: {  	[smem:$0x3F76] =	sst s10  }
0x32: {  	s10 =	sld [smem:$0x3F74];
	_ =	sdelay $0x3  }
0x33: {  	p0 =	seq.s32 s10, $0x1;
	s10 =	sld [smem:$0x3F76];
	_ =	sdelay $0x3  }
0x34: {  	[smem:$0x3F76] =	sst s10  }
0x35: {  	s10 =	sld [smem:$0x3F75];
	_ =	sdelay $0x3  }
0x36: {  	p1 =	seq.s32 s10, $0x1;
	s10 =	sld [smem:$0x3F76];
	_ =	sdelay $0x3  }
0x37: {  	[smem:$0x3F76] =	sst s10  }
0x38: {  	s10 =	sld [smem:$0x3F77]  }
0x39: {  	_ = 	snop;
	(pc) =	sbr.ind lr, $3  }
0x3a: {  	_ = 	snop  }
0x3b: {  	_ = 	snop  }
0x3c: {  	p2 =	seq.s32 s10, $0x1;
	s10 =	sld [smem:$0x3F76]  }
0x3d: {  	_ =	shalt  }
0x3e: {  	_ =	shalt  }
0x3f: {  	_ =	shalt  }
0x40: {  	_ =	shalt  }
0x41: {  	_ =	shalt  }
0x42: {  	_ =	shalt  }
0x43: {  	_ =	shalt  }
0x44: {  	_ =	shalt  }
0x45: {  	_ =	shalt  }
0x46: {  	_ =	shalt  }
0x47: {  	_ =	shalt  }
0x48: {  	_ =	shalt  }
0x49: {  	_ =	shalt  }
0x4a: {  	_ =	shalt  }
0x4b: {  	_ =	shalt  }
0x4c: {  	_ =	shalt  }
0x4d: {  	_ =	shalt  }
0x4e: {  	_ =	shalt  }
0x4f: {  	_ =	shalt  }
0x50: {  	_ =	shalt  }
0x51: {  	_ =	shalt  }
0x52: {  	_ =	shalt  }
0x53: {  	_ =	shalt  }
0x54: {  	_ =	shalt  }
0x55: {  	_ =	shalt  }
0x56: {  	_ =	shalt  }
0x57: {  	_ =	shalt  }
0x58: {  	_ =	shalt  }
0x59: {  	_ =	shalt  }
0x5a: {  	_ =	shalt  }
0x5b: {  	_ =	shalt  }
0x5c: {  	_ =	shalt  }
0x5d: {  	_ =	shalt  }
0x5e: {  	_ =	shalt  }
0x5f: {  	_ =	shalt  }
0x60: {  	_ =	shalt  }
0x61: {  	_ =	shalt  }
0x62: {  	_ =	shalt  }
0x63: {  	_ =	shalt  }
0x64: {  	_ =	shalt  }
0x65: {  	_ =	shalt  }
0x66: {  	_ =	shalt  }
0x67: {  	_ =	shalt  }
0x68: {  	_ =	shalt  }
0x69: {  	_ =	shalt  }
0x6a: {  	_ =	shalt  }
0x6b: {  	_ =	shalt  }
0x6c: {  	_ =	shalt  }
0x6d: {  	_ =	shalt  }
0x6e: {  	_ =	shalt  }
0x6f: {  	_ =	shalt  }
0x70: {  	_ =	shalt  }
0x71: {  	_ =	shalt  }
0x72: {  	_ =	shalt  }
0x73: {  	_ =	shalt  }
0x74: {  	_ =	shalt  }
0x75: {  	_ =	shalt  }
0x76: {  	_ =	shalt  }
0x77: {  	_ =	shalt  }
0x78: {  	_ =	shalt  }
0x79: {  	_ =	shalt  }
0x7a: {  	_ =	shalt  }
0x7b: {  	_ =	shalt  }
0x7c: {  	_ =	shalt  }
0x7d: {  	_ =	shalt  }
0x7e: {  	_ =	shalt  }
0x7f: {  	_ =	shalt  }
0x80: {  	_ =	shalt  }
0x81: {  	_ =	shalt  }
0x82: {  	_ =	shalt  }
0x83: {  	_ =	shalt  }
0x84: {  	_ =	shalt  }
0x85: {  	_ =	shalt  }
0x86: {  	_ =	shalt  }
0x87: {  	_ =	shalt  }
.Lfunc_end0:
.L_simem_size_0:
called_computation_lowered:
.L_overlay_start_0:
0x88: {  	s2 =	sld [smem:$0x3FD9]  }
0x89: {  	s3 =	sld [smem:$0x3FFE];
	_ =	sdelay $0x1  }
0x8a: {  	s1 =	srdreg.scid  }
0x8b: {  	s0 =	sand.u32 $0x1, s1  }
0x8c: {  	s14 =	sshll.u32 s0, $0xA;
	s2 =	sadd.s32 s3, s2  }
0x8d: {  	s2 =	sadd.s32 s2, s14  }
0x8e: {  	[smem:$0x3F82] =	sst s2  }
0x8f: {  	_ = 	snop  }
0x90: {  	s2 =	sld [smem:$0x3FD0];
	_ =	sdelay $0x2  }
0x91: {  	s15 =	simm.s32 $0xA;
	s4 =	simm.s32 $0x10  }
0x92: {  	[smem:s4], [sflag:s15] =	dma.local [hbm:s2], $0x1  }
0x93: {  	_ =	swait.eq [sflag:s15], $0x1  }
0x94: {  	[sflag:s15] =	ssyncset.done $0x0  }
0x95: {  	[sflag:s15] =	ssyncadd.s32 $0xFFFFFFFF  }
0x96: {  	s16 =	sld [smem:$0x11];
	(tm) =	ssettm $0x1  }
0x97: {  	s17 =	sld [smem:$0x3FFB];
	_ =	sdelay $0x3  }
0x98: {  	_ =	strace s17  }
0x99: {  	s3 =	sld [smem:$0x3FFC];
	_ =	sdelay $0x3  }
0x9a: {  	_ =	strace s3  }
0x9b: {  	s3 =	sld [smem:$0x3FFD];
	_ =	sdelay $0x3  }
0x9c: {  	_ =	strace s3  }
0x9d: {  	_ =	strace $0x8FFFFFFF  }
0x9e: {  	s18 =	sld [smem:$0x3FDB];
	_ =	sdelay $0x1  }
0x9f: {  	s19 =	simm.s32 $_scs_section_size  }
0xa0: {  	s5 =	simm.s32 $_size__tile_overlayer_lowered;
	s6 =	simm.s32 $_tile_overlayer_lowered  }
0xa1: {  	s22 =	simm.s32 $0x1BFF;
	s21 =	sshll.u32 s6, $0x1;
	s3 =	sadd.s32 s19, s18  }
0xa2: {  	s7 =	simm.s32 $0x0;
	s20 =	sshll.u32 s5, $0x1;
	s5 =	sadd.s32 s21, s3  }
0xa3: {  	[timem:s7], [sflag:s22] =	dma.local [hbm:s5], s20  }
0xa4: {  	_ =	swait.ge [sflag:s22], s20  }
0xa5: {  	s4 =	ssub.s32 $0x0, s20;
	[sflag:s22] =	ssyncset.done $0x0  }
0xa6: {  	[sflag:s22] =	ssyncadd.s32 s4;
	_ =	sdelay $0x1  }
0xa7: {  	s23 =	simm.s32 $0x1B8B  }
0xa8: {  	_ =	swait.ge [sflag:s23], $0x1  }
0xa9: {  	[sflag:s23] =	ssyncset.done $0x0  }
0xaa: {  	s25 =	simm.s32 $0x1B8E;
	s24 =	sld [smem:$0x3FFE];
	[sflag:s23] =	ssyncadd.s32 $0xFFFFFFFF  }
0xab: {  	s26 =	simm.s32 $execute0_lowered;
	[smem:$0x3FD2] =	sst s25  }
0xac: {  	s5 =	sshll.u32 s26, $0x1;
	_ =	strace $0x80000046;
	[dreg:$0x1] =	wrdreg $0xFFFFFFFF  }
0xad: {  	s28 =	simm.s32 $_size_execute0_lowered;
	s3 =	sadd.s32 s3, s5;
	[dreg:$0x0] =	wrdreg $0x0  }
0xae: {  	s5 =	sshll.u32 s28, $0x1;
	[dreg:$0x2] =	wrdreg s3  }
0xaf: {  	[dreg:$0x3] =	wrdreg s5  }
0xb0: {  	[dreg:$0x4] =	wrdreg $0xC0  }
0xb1: {  	_ =	task [dreg:s7], $0x5FFFF  }
0xb2: {  	[dreg:$0x1] =	wrdreg $0xFFFFFFFF  }
0xb3: {  	[dreg:$0x0] =	wrdreg $0x60  }
0xb4: {  	[dreg:$0x2] =	wrdreg s16  }
0xb5: {  	[dreg:$0x3] =	wrdreg s24  }
0xb6: {  	[dreg:$0x4] =	wrdreg $0x9  }
0xb7: {  	_ =	task.clear_ibuf [dreg:s7], $0x5FFFF;
	_ =	strace $0x90000046  }
0xb8: {  	s29 =	simm.s32 $0x9;
	_ =	strace $0x80000048  }
0xb9: {  	_ =	swait.ge [sflag:s29], $0x1  }
0xba: {  	[sflag:s29] =	ssyncadd.s32 $0xFFFFFFFF  }
0xbb: {  	_ =	strace $0x90000048  }
0xbc: {  	_ =	sfence  }
0xbd: {  	s30 =	sld [smem:$0x0];
	_ =	sdelay $0x2  }
0xbe: {  	s31 =	sshll.u32 s1, $0xD;
	s1 =	sshrl.u32 s1, $0x2  }
0xbf: {  	s3 =	sand.u32 $0x4000, s31;
	s1 =	sadd.s32 s1, s30  }
0xc0: {  	s0 =	sor.u32 s3, s0;
	s1 =	sshll.u32 s1, $0x11  }
0xc1: {  	s0 =	sor.u32 s1, s0  }
0xc2: {  	s0 =	sadd.s32 $0x8F2B, s0  }
0xc3: {  	[sflag:s0] =	ssyncadd.remote.s32 $0x1  }
0xc4: {  	_ =	sfence.sel $0xFFFF  }
0xc5: {  	[dreg:$0x0] =	wrdreg $0xFFFFFFFF;
	(pc) =	sbr.abs _section_cstart, $3  }
0xc6: {  	[dreg:$0x1] =	wrdreg $0xFFFFFFFF  }
0xc7: {  	_ =	task.clear_ibuf [dreg:s7], $0x2FFFF;
	_ =	strace $0x9FFFFFFF  }
0xc8: {  	(tm) =	ssettm $0x7FFFFFFF  }
0xc9: {  	_ =	shalt  }
tec
execute0_lowered:
.L_overlay_start_1:
0x0: {  	(tag) =	ssettag $0x1  }
0x1: {  	s1 =	rddreg [dreg:$0x0]  }
0x2: {  	s4 =	rddreg [dreg:$0x1]  }
0x3: {  	s0 =	rddreg [dreg:$0x2];
	s5 =	srdreg.scid  }
0x4: {  	s3 =	simm.s32 $0x0;
	s2 =	stileid.u32;
	s10 =	simm.s32 $0x0  }
0x5: {  	s5 =	sand.u32 $0x1, s5;
	[smem:$0x7FF] =	sst s3;
	s6 =	sshll.u32 s2, $0xD  }
0x6: {  	s8 =	sshll.u32 s2, $0x11;
	s7 =	sshll.u32 s5, $0xC;
	_ =	strace $0x80000047  }
0x7: {  	s31 =	ssub.s32 $0x2, s5;
	s8 =	sadd.s32 s8, s4;
	s5 =	sshll.u32 s5, $0x10  }
0x8: {  	s6 =	sor.u32 s7, s6;
	s9 =	sshrl.u32 s31, $0x1;
	s5 =	sadd.s32 s5, s8  }
0x9: {  	s8 =	simm.s32 $0x80;
	s6 =	sshrl.u32 s6, $0x3;
	s7 =	ssub.s32 s31, s9  }
0xa: {  	s5 =	sadd.s32 $0x110200, s5;
	s9 =	simm.s32 $0x1;
	s6 =	sadd.s32 s6, s4  }
0xb: {  	s4 =	smax.u32 s7, $0x1;
	s7 =	simm.s32 $0x2;
	s6 =	sadd.s32 $0x10C200, s6  }
.LBB2_1:
0xc: {  	s11 =	sadd.s32 $0x0, s6  }
0xd: {  	[tilespmem:s3], [sflag:$0x2] =	stream.linear.gather [hbm4b:s11+s3], $0x80, $0x38;
	[tilespmem:$0x4080] =	vst v63  }
0xe: {  	_ =	swait.ge [sflag:s7], $0x80  }
0xf: {  	[sflag:s7] =	ssyncset.done $0x0  }
0x10: {  	[sflag:s7] =	ssyncadd.s32 $0xFFFFFF80  }
0x11: {  	[tilespmem:s8], [sflag:$0x1] =	stream.indirect.gather [hbm4b:s1+s8], $0x80, s3, s8, $0xb8;
	[tilespmem:$0x4080] =	vst v63  }
0x12: {  	_ =	swait.ge [sflag:s9], $0x4000  }
0x13: {  	[sflag:s9] =	ssyncset.done $0x0  }
0x14: {  	[sflag:s9] =	ssyncadd.s32 $0xFFFFC000  }
0x15: {  	[hbm4b:s5+s3] =	stream.linear.scatter [tilespmem:s8], [sflag:$0x2], $0x4000, $0x38;
	[tilespmem:$0x4080] =	vst v63  }
0x16: {  	s12 =	simm.s32 $0x10;
	_ =	swait.ge [sflag:s7], $0x4000  }
0x17: {  	s13 =	simm.s32 $0x20;
	s11 =	sadd.s32 $0x800, s5;
	[sflag:s7] =	ssyncset.done $0x0  }
.LBB2_2:
0x18: {  	s14 =	sadd.s32 s12, s6  }
0x19: {  	[sflag:s7] =	ssyncadd.s32 $0xFFFFC000;
	s12 =	smov.u32 s13;
	s15 =	sadd.s32 $0x10, s13  }
0x1a: {  	[tilespmem:s3], [sflag:$0x2] =	stream.linear.gather [hbm4b:s14+s3], $0x80, $0x38;
	[tilespmem:$0x4080] =	vst v63  }
0x1b: {  	p0 =	sne.s32 s13, $0x1F0;
	_ =	swait.ge [sflag:s7], $0x80  }
0x1c: {  	[sflag:s7] =	ssyncset.done $0x0  }
0x1d: {  	[sflag:s7] =	ssyncadd.s32 $0xFFFFFF80  }
0x1e: {  	[tilespmem:s8], [sflag:$0x1] =	stream.indirect.gather [hbm4b:s1+s8], $0x80, s3, s8, $0xb8;
	[tilespmem:$0x4080] =	vst v63  }
0x1f: {  	_ =	swait.ge [sflag:s9], $0x4000  }
.Ltmp0:
0x20: {  	[sflag:s9] =	ssyncset.done $0x0;
	(pc) =	sbr.rel @p0 .LBB2_2-.Ltmp0, $4  }
0x21: {  	[sflag:s9] =	ssyncadd.s32 $0xFFFFC000  }
0x22: {  	[hbm4b:s11+s3] =	stream.linear.scatter [tilespmem:s8], [sflag:$0x2], $0x4000, $0x38;
	[tilespmem:$0x4080] =	vst v63  }
0x23: {  	_ =	swait.ge [sflag:s7], $0x4000  }
0x24: {  	s13 =	smov.u32 s15;
	s11 =	sadd.s32 $0x800, s11;
	[sflag:s7] =	ssyncset.done $0x0  }
0x25: {  	s12 =	sadd.s32 s12, s6;
	[sflag:s7] =	ssyncadd.s32 $0xFFFFC000  }
0x26: {  	[tilespmem:s3], [sflag:$0x2] =	stream.linear.gather [hbm4b:s12+s3], $0x80, $0x38;
	[tilespmem:$0x4080] =	vst v63  }
0x27: {  	_ =	swait.ge [sflag:s7], $0x80  }
0x28: {  	[sflag:s7] =	ssyncset.done $0x0  }
0x29: {  	[sflag:s7] =	ssyncadd.s32 $0xFFFFFF80  }
0x2a: {  	[tilespmem:s8], [sflag:$0x1] =	stream.indirect.gather [hbm4b:s1+s8], $0x80, s3, s8, $0xb8;
	[tilespmem:$0x4080] =	vst v63  }
0x2b: {  	s10 =	sadd.s32 $0x1, s10;
	_ =	swait.ge [sflag:s9], $0x4000  }
0x2c: {  	p0 =	sne.s32 s10, s4;
	[sflag:s9] =	ssyncset.done $0x0  }
.Ltmp1:
0x2d: {  	[sflag:s9] =	ssyncadd.s32 $0xFFFFC000;
	(pc) =	sbr.rel @p0 .LBB2_1-.Ltmp1, $4  }
0x2e: {  	[hbm4b:s11+s3] =	stream.linear.scatter [tilespmem:s8], [sflag:$0x2], $0x4000, $0x38;
	[tilespmem:$0x4080] =	vst v63  }
0x2f: {  	_ =	swait.ge [sflag:s7], $0x4000  }
0x30: {  	[sflag:s7] =	ssyncset.done $0x0  }
0x31: {  	[sflag:s7] =	ssyncadd.s32 $0xFFFFC000  }
0x32: {  	_ =	sfence.sel $0x180000  }
0x33: {  	[bflag:$0x0] =	sbarrier.arrive $0xFFFF  }
0x34: {  	p0 =	sne.s32 s2, $0x0;
	_ =	strace $0x90000047  }
0x35: {  	s0 =	sadd.s32 @!p0 $0x100000, s0;
	[bflag:$0x2] =	sbarrier.arrive $0xFFFF  }
0x36: {  	[sflag:s0] =	ssyncadd.tile.s32 @!p0 $0x1;
	_ =	shalt  }
.Lfunc_end2:
_tile_overlayer_lowered:
.L_overlay_start_2:
0x37: {  	(tag) =	ssettag $0x2  }
0x38: {  	s0 =	rddreg [dreg:$0x0];
	s2 =	stileid.u32  }
0x39: {  	s1 =	rddreg [dreg:$0x1];
	p0 =	sne.s32 s2, $0x0  }
0x3a: {  	s3 =	rddreg [dreg:$0x2];
	[bflag:$0x3] =	sbarrier.arrive $0xFFFF;
	s2 =	simm.s32 @!p0 $0x1C02  }
0x3b: {  	[timem:s3], [sflag:s2] =	dma.local @!p0 [hbm:s0], s1  }
0x3c: {  	s0 =	simm.s32 @!p0 $0x2  }
0x3d: {  	_ =	swait.ge @!p0 [sflag:s0], s1  }
0x3e: {  	s1 =	ssub.s32 @!p0 $0x0, s1;
	[sflag:s0] =	ssyncset.done @!p0 $0x0  }
0x3f: {  	[sflag:s0] =	ssyncadd.s32 @!p0 s1  }
0x40: {  	[bflag:$0x3] =	sbarrier.arrive $0xFFFF  }
0x41: {  	_ =	shalt  }

</sc_bundles>
